<compile_context>
chip_gen: v7x
topology: tpu7x:2x2x1
jax: 0.10.2.dev20260603
libtpu: 0.0.44.dev20260713+nightly
codegen_flags: <defaults>
</compile_context>

<pallas_src>
import functools

import jax
import jax.numpy as jnp
from jax import lax
from jax.experimental import pallas as pl
from jax.experimental.pallas import tpu as pltpu
from jax.experimental.pallas import tpu_sc as plsc

NC = 2
NS = 16
LANES = 16
CH = 80


@functools.lru_cache(maxsize=None)
def _sc_neighbor_sum(n_pad: int, d: int, nch: int, with_deg: bool):
    nw = NC * NS
    assert nch % 2 == 1 and nch >= 3
    rpt = n_pad // NS
    assert rpt * NS == n_pad
    dacc = d + LANES if with_deg else d

    mesh = plsc.VectorSubcoreMesh(
        core_axis_name="c", subcore_axis_name="s",
        num_cores=NC, num_subcores=NS)

    out_type = [jax.ShapeDtypeStruct((NC, n_pad, d), jnp.float32)]
    if with_deg:
        out_type.append(jax.ShapeDtypeStruct((NC, n_pad, LANES), jnp.float32))

    @functools.partial(
        pl.kernel,
        out_type=tuple(out_type),
        mesh=mesh,
        compiler_params=pltpu.CompilerParams(use_tc_tiling_on_sc=False),
        scratch_types=[
            pltpu.VMEM((2, CH), jnp.int32),
            pltpu.VMEM((2, CH), jnp.int32),
            pltpu.VMEM((CH, dacc), jnp.float32),
            pltpu.VMEM((CH, dacc), jnp.float32),
            pltpu.VMEM_SHARED((n_pad, dacc), jnp.float32),
            pltpu.SemaphoreType.DMA,
            pltpu.SemaphoreType.DMA,
            pltpu.SemaphoreType.DMA,
        ])
    def sc_kernel(h_hbm, eic_hbm, z_hbm, *rest):
        if with_deg:
            (sum_out, deg_out, idxA, idxB, rowsA, rowsB,
             acc_sh, semZ, semA, semB) = rest
        else:
            (sum_out, idxA, idxB, rowsA, rowsB,
             acc_sh, semZ, semA, semB) = rest
        c = lax.axis_index("c")
        s = lax.axis_index("s")
        wid = c * NS + s
        cbase = wid * nch
        tile0 = s * rpt

        zd = pltpu.async_copy(z_hbm, acc_sh.at[pl.ds(tile0, rpt)], semZ)
        pltpu.sync_copy(eic_hbm.at[cbase], idxA)
        pltpu.async_copy(h_hbm.at[idxA.at[0]], rowsA, semA)
        zd.wait()
        plsc.subcore_barrier()

        def body(k, carry):
            i = cbase + 2 * k
            pltpu.sync_copy(eic_hbm.at[i + 1], idxB)
            gB = pltpu.async_copy(h_hbm.at[idxB.at[0]], rowsB, semB)
            pltpu.make_async_copy(h_hbm.at[idxA.at[0]], rowsA, semA).wait()
            pltpu.sync_copy(rowsA, acc_sh.at[idxA.at[1]], add=True)
            pltpu.sync_copy(eic_hbm.at[i + 2], idxA)
            pltpu.async_copy(h_hbm.at[idxA.at[0]], rowsA, semA)
            gB.wait()
            pltpu.sync_copy(rowsB, acc_sh.at[idxB.at[1]], add=True)
            return carry
        lax.fori_loop(0, nch // 2, body, None)

        pltpu.make_async_copy(h_hbm.at[idxA.at[0]], rowsA, semA).wait()
        pltpu.sync_copy(rowsA, acc_sh.at[idxA.at[1]], add=True)

        plsc.subcore_barrier()

        if with_deg:
            pltpu.sync_copy(acc_sh.at[pl.ds(tile0, rpt), pl.ds(0, d)],
                            sum_out.at[c, pl.ds(tile0, rpt)])
            pltpu.sync_copy(acc_sh.at[pl.ds(tile0, rpt), pl.ds(d, LANES)],
                            deg_out.at[c, pl.ds(tile0, rpt)])
        else:
            pltpu.sync_copy(acc_sh.at[pl.ds(tile0, rpt)],
                            sum_out.at[c, pl.ds(tile0, rpt)])

    return sc_kernel


@functools.lru_cache(maxsize=None)
def _ones_col(n: int, d: int):
    bm = 1024

    def body(x_ref, o_ref):
        lane = lax.broadcasted_iota(jnp.int32, (bm, LANES), 1)
        tail = jnp.where(lane == 0, 1.0, 0.0).astype(jnp.float32)
        o_ref[...] = jnp.concatenate([x_ref[...], tail], axis=1)

    return pl.pallas_call(
        body,
        grid=(-(-n // bm),),
        in_specs=[pl.BlockSpec((bm, d), lambda i: (i, 0))],
        out_specs=pl.BlockSpec((bm, d + LANES), lambda i: (i, 0)),
        out_shape=jax.ShapeDtypeStruct((n, d + LANES), jnp.float32),
    )


@functools.lru_cache(maxsize=None)
def _tc_layer(n: int, n_pad: int, d: int):
    bm = 1024
    assert n_pad % bm == 0

    def body(h_ref, p_ref, deg_ref, ws_ref, wn_ref, o_ref):
        deg = jnp.maximum(deg_ref[0, :, :1] + deg_ref[1, :, :1], 1.0)
        m = (p_ref[0] + p_ref[1]) / deg
        dn = (((1,), (1,)), ((), ()))
        acc = lax.dot_general(h_ref[...], ws_ref[...], dn,
                              preferred_element_type=jnp.float32)
        acc = acc + lax.dot_general(m, wn_ref[...], dn,
                                    preferred_element_type=jnp.float32)
        o_ref[...] = jnp.maximum(acc, 0.0)

    return pl.pallas_call(
        body,
        grid=(n_pad // bm,),
        in_specs=[
            pl.BlockSpec((bm, d), lambda i: (i, 0)),
            pl.BlockSpec((NC, bm, d), lambda i: (0, i, 0)),
            pl.BlockSpec((NC, bm, LANES), lambda i: (0, i, 0)),
            pl.BlockSpec((d, d), lambda i: (0, 0)),
            pl.BlockSpec((d, d), lambda i: (0, 0)),
        ],
        out_specs=pl.BlockSpec((bm, d), lambda i: (i, 0)),
        out_shape=jax.ShapeDtypeStruct((n, d), jnp.float32),
    )


def kernel(x, weight, edge_index):
    n, d = x.shape
    e = edge_index.shape[1]
    n_pad = -(-n // 2048) * 2048
    if n_pad - n < 32:
        n_pad += 2048
    rpt = n_pad // NS
    nw = NC * NS

    nch = -(-e // (nw * CH))
    if nch % 2 == 0:
        nch += 1
    e_tot = nw * nch * CH
    pad = e_tot - e
    src_p = jnp.concatenate([edge_index[0], jnp.zeros((pad,), jnp.int32)])
    dst_p = jnp.concatenate(
        [edge_index[1],
         n + jnp.arange(pad, dtype=jnp.int32) % jnp.int32(n_pad - n)])
    eic = jnp.stack([src_p.reshape(-1, CH), dst_p.reshape(-1, CH)], axis=1)

    zw = jnp.zeros((rpt, d + LANES), jnp.float32)
    zn = jnp.zeros((rpt, d), jnp.float32)
    h0w = _ones_col(n, d)(x)
    feat1, degp = _sc_neighbor_sum(n_pad, d, nch, True)(h0w, eic, zw)
    tc = _tc_layer(n, n_pad, d)
    h1 = tc(x, feat1, degp, weight[0, :, :d], weight[0, :, d:])
    (feat2,) = _sc_neighbor_sum(n_pad, d, nch, False)(h1, eic, zn)
    h2 = tc(h1, feat2, degp, weight[1, :, :d], weight[1, :, d:])
    return h2

# --- scband reference (transcript-rebuilt; emitter-appended) ---
"""Pipeline reference for scband-graph-sage-76175539962497 (READ-ONLY COPY).

The authoritative reference and input builder live on the scoring server;
editing this copy changes nothing except your own understanding.
"""

import jax, jax.numpy as jnp
import numpy as np

N_NODES = 10000
N_EDGES = 320000
D_FEAT = 128
DEPTH = 2


def setup_inputs(seed: int = 0) -> dict:
    key = jax.random.key(seed)
    k1, k2, k3 = jax.random.split(key, 3)
    x = jax.random.normal(k1, (N_NODES, D_FEAT), dtype=jnp.float32)
    # GraphSAGE weight: per-layer matrix applied to concat([h_self, h_neigh]) -> shape (depth, D, 2D)
    weight = jax.random.normal(k2, (DEPTH, D_FEAT, 2 * D_FEAT), dtype=jnp.float32) * (1.0 / np.sqrt(2 * D_FEAT))
    edge_index = jax.random.randint(k3, (2, N_EDGES), 0, N_NODES, dtype=jnp.int32)
    return {"x": x, "weight": weight, "edge_index": edge_index}


def reference(x, weight, edge_index):
    """Faithful GraphSAGE forward with Mean aggregator.

    For each layer k (depth layers):
      h_neigh[v] = mean_{u in N(v)} h[u]            (neighborhood_fun -> edge_index)
      h[v]       = relu(W[k] @ concat([h[v], h_neigh[v]]))
    Vectorized over all nodes via gather (h[src]) + scatter-add (segment_sum on dst).
    """
    N = x.shape[0]
    src = edge_index[0]
    dst = edge_index[1]
    # degree for mean aggregation (scatter-add of ones)
    deg = jnp.zeros((N,), dtype=x.dtype).at[dst].add(1.0)
    deg = jnp.maximum(deg, 1.0)
    h = x
    for k in range(weight.shape[0]):
        gathered = jnp.take(h, src, axis=0)                     # gather neighbor features
        neigh_sum = jax.ops.segment_sum(gathered, dst, num_segments=N)  # scatter-add
        h_neigh = neigh_sum / deg[:, None]                       # MeanAggregator
        cat = jnp.concatenate([h, h_neigh], axis=1)              # concat([h_self, h_neigh])
        h = jax.nn.relu(cat @ weight[k].T)                       # W[k] @ concat, relu activation
    return h

if __name__ == "__main__":
    import jax
    _d = setup_inputs()
    print(jax.jit(kernel)(*tuple(_d.values())))

</pallas_src>

<mosaic_0001>
#map = affine_map<(d0, d1) -> (0, 0)>
#map1 = affine_map<(d0, d1) -> (0, 0, 0)>
module attributes {stable_mosaic.version = 14 : i64} {
  func.func @sc_kernel(%arg0: i32, %arg1: i32, %arg2: memref<10000x144xf32, #tpu.memory_space<hbm>>, %arg3: memref<4000x2x80xi32, #tpu.memory_space<hbm>>, %arg4: memref<640x144xf32, #tpu.memory_space<hbm>>, %arg5: memref<2x10240x128xf32, #tpu.memory_space<hbm>>, %arg6: memref<2x10240x16xf32, #tpu.memory_space<hbm>>, %arg7: memref<2x80xi32, #tpu.memory_space<vmem>>, %arg8: memref<2x80xi32, #tpu.memory_space<vmem>>, %arg9: memref<80x144xf32, #tpu.memory_space<vmem>>, %arg10: memref<80x144xf32, #tpu.memory_space<vmem>>, %arg11: memref<10240x144xf32, #tpu.memory_space<vmem_shared>>, %arg12: memref<!tpu.dma_semaphore, #tpu.memory_space<semaphore_mem>>, %arg13: memref<!tpu.dma_semaphore, #tpu.memory_space<semaphore_mem>>, %arg14: memref<!tpu.dma_semaphore, #tpu.memory_space<semaphore_mem>>) attributes {dimension_semantics = [#tpu.dimension_semantics<core_parallel>, #tpu.dimension_semantics<subcore_parallel>], iteration_bounds = array<i64: 2, 16>, scalar_prefetch = 0 : i64, scratch_operands = 8 : i64, tpu.core_type = #tpu.core_type<sc_vector_subcore>, window_params = [{transform_indices = #map}, {transform_indices = #map1}, {transform_indices = #map}, {transform_indices = #map1}, {transform_indices = #map1}]} {
    %mul3A = arith.constant 16 : i32
    %mul3A_0 = arith.muli %arg0, %mul3A : i32
    %add3A = arith.addi %mul3A_0, %arg1 : i32
    %mul3A_1 = arith.constant 125 : i32
    %mul3A_2 = arith.muli %add3A, %mul3A_1 : i32
    %mul3A_3 = arith.constant 640 : i32
    %mul3A_4 = arith.muli %arg1, %mul3A_3 : i32
    %dma_start3A = arith.constant 0 : i32
    %dma_start3A_5 = tpu.memref_slice %arg11[%mul3A_4, %dma_start3A] : memref<10240x144xf32, #tpu.memory_space<vmem_shared>> -> memref<640x144xf32, #tpu.memory_space<vmem_shared>>
    tpu.enqueue_dma source(%arg4 : memref<640x144xf32, #tpu.memory_space<hbm>>) target(%dma_start3A_5 : memref<640x144xf32, #tpu.memory_space<vmem_shared>>) target_semaphore(%arg12 : memref<!tpu.dma_semaphore, #tpu.memory_space<semaphore_mem>>)
    "tpu.region"() ({
      %run_scoped3A_26 = tpu.sem_alloc : memref<!tpu.dma_semaphore, #tpu.memory_space<semaphore_mem>>
      %dma_start3A_27 = arith.constant 0 : i32
      %dma_start3A_28 = arith.constant 0 : i32
      %dma_start3A_29 = tpu.memref_slice %arg3[%mul3A_2, %dma_start3A_27, %dma_start3A_28] : memref<4000x2x80xi32, #tpu.memory_space<hbm>> -> memref<1x2x80xi32, #tpu.memory_space<hbm>>
      %dma_start3A_30 = tpu.memref_squeeze %dma_start3A_29 : memref<1x2x80xi32, #tpu.memory_space<hbm>> -> memref<2x80xi32, #tpu.memory_space<hbm>>
      %dma_start3A_31 = arith.constant 0 : i32
      %dma_start3A_32 = arith.constant 0 : i32
      %dma_start3A_33 = tpu.memref_slice %arg3[%mul3A_2, %dma_start3A_31, %dma_start3A_32] : memref<4000x2x80xi32, #tpu.memory_space<hbm>> -> memref<1x2x80xi32, #tpu.memory_space<hbm>>
      %dma_start3A_34 = tpu.memref_squeeze %dma_start3A_33 : memref<1x2x80xi32, #tpu.memory_space<hbm>> -> memref<2x80xi32, #tpu.memory_space<hbm>>
      tpu.enqueue_dma source(%dma_start3A_34 : memref<2x80xi32, #tpu.memory_space<hbm>>) target(%arg7 : memref<2x80xi32, #tpu.memory_space<vmem>>) target_semaphore(%run_scoped3A_26 : memref<!tpu.dma_semaphore, #tpu.memory_space<semaphore_mem>>)
      %dma_wait3A_35 = arith.constant 0 : i32
      %dma_wait3A_36 = arith.constant 0 : i32
      %dma_wait3A_37 = tpu.memref_slice %arg3[%mul3A_2, %dma_wait3A_35, %dma_wait3A_36] : memref<4000x2x80xi32, #tpu.memory_space<hbm>> -> memref<1x2x80xi32, #tpu.memory_space<hbm>>
      %dma_wait3A_38 = tpu.memref_squeeze %dma_wait3A_37 : memref<1x2x80xi32, #tpu.memory_space<hbm>> -> memref<2x80xi32, #tpu.memory_space<hbm>>
      %dma_wait3A_39 = arith.constant 0 : i32
      %dma_wait3A_40 = arith.constant 0 : i32
      %dma_wait3A_41 = tpu.memref_slice %arg3[%mul3A_2, %dma_wait3A_39, %dma_wait3A_40] : memref<4000x2x80xi32, #tpu.memory_space<hbm>> -> memref<1x2x80xi32, #tpu.memory_space<hbm>>
      %dma_wait3A_42 = tpu.memref_squeeze %dma_wait3A_41 : memref<1x2x80xi32, #tpu.memory_space<hbm>> -> memref<2x80xi32, #tpu.memory_space<hbm>>
      tpu.wait_dma2 semaphore(%run_scoped3A_26 : memref<!tpu.dma_semaphore, #tpu.memory_space<semaphore_mem>>) src(%dma_wait3A_42 : memref<2x80xi32, #tpu.memory_space<hbm>>) dst(%arg7 : memref<2x80xi32, #tpu.memory_space<vmem>>)
      tpu.yield
    }) : () -> ()
    %dma_start3A_6 = arith.constant 0 : i32
    %dma_start3A_7 = arith.constant 0 : i32
    %dma_start3A_8 = tpu.memref_slice %arg7[%dma_start3A_6, %dma_start3A_7] : memref<2x80xi32, #tpu.memory_space<vmem>> -> memref<1x80xi32, #tpu.memory_space<vmem>>
    %dma_start3A_9 = tpu.memref_squeeze %dma_start3A_8 : memref<1x80xi32, #tpu.memory_space<vmem>> -> memref<80xi32, #tpu.memory_space<vmem>>
    %dma_start3A_10 = arith.constant 0 : i32
    %dma_start3A_11 = arith.constant 0 : i32
    %dma_start3A_12 = tpu.memref_slice %arg2[%dma_start3A_10, %dma_start3A_11] : memref<10000x144xf32, #tpu.memory_space<hbm>> -> memref<10000x144xf32, #tpu.memory_space<hbm>>
    tpu.enqueue_indirect_dma source(%dma_start3A_12 : memref<10000x144xf32, #tpu.memory_space<hbm>>) target(%arg9 : memref<80x144xf32, #tpu.memory_space<vmem>>) offsets(%dma_start3A_9 : memref<80xi32, #tpu.memory_space<vmem>>) semaphore(%arg13 : memref<!tpu.dma_semaphore, #tpu.memory_space<semaphore_mem>>)
    %dma_wait3A = arith.constant 0 : i32
    %dma_wait3A_13 = tpu.memref_slice %arg11[%mul3A_4, %dma_wait3A] : memref<10240x144xf32, #tpu.memory_space<vmem_shared>> -> memref<640x144xf32, #tpu.memory_space<vmem_shared>>
    tpu.wait_dma2 semaphore(%arg12 : memref<!tpu.dma_semaphore, #tpu.memory_space<semaphore_mem>>) src(%arg4 : memref<640x144xf32, #tpu.memory_space<hbm>>) dst(%dma_wait3A_13 : memref<640x144xf32, #tpu.memory_space<vmem_shared>>)
    %barrier3A = arith.constant 0 : index
    tpu.barrier barrier_id(%barrier3A)
    %scan3A = arith.constant 0 : i32
    %scan3A_14 = arith.constant 62 : i32
    %scan3A_15 = arith.addi %scan3A, %scan3A_14 : i32
    %scan3A_16 = arith.constant 1 : i32
    scf.for %scan3A_26 = %scan3A to %scan3A_15 step %scan3A_16  : i32 {
      %mul3A_27 = arith.constant 2 : i32
      %mul3A_28 = arith.muli %mul3A_27, %scan3A_26 : i32
      %add3A_29 = arith.addi %mul3A_2, %mul3A_28 : i32
      %add3A_30 = arith.constant 1 : i32
      %add3A_31 = arith.addi %add3A_29, %add3A_30 : i32
      "tpu.region"() ({
        %run_scoped3A_64 = tpu.sem_alloc : memref<!tpu.dma_semaphore, #tpu.memory_space<semaphore_mem>>
        %dma_start3A_65 = arith.constant 0 : i32
        %dma_start3A_66 = arith.constant 0 : i32
        %dma_start3A_67 = tpu.memref_slice %arg3[%add3A_31, %dma_start3A_65, %dma_start3A_66] : memref<4000x2x80xi32, #tpu.memory_space<hbm>> -> memref<1x2x80xi32, #tpu.memory_space<hbm>>
        %dma_start3A_68 = tpu.memref_squeeze %dma_start3A_67 : memref<1x2x80xi32, #tpu.memory_space<hbm>> -> memref<2x80xi32, #tpu.memory_space<hbm>>
        %dma_start3A_69 = arith.constant 0 : i32
        %dma_start3A_70 = arith.constant 0 : i32
        %dma_start3A_71 = tpu.memref_slice %arg3[%add3A_31, %dma_start3A_69, %dma_start3A_70] : memref<4000x2x80xi32, #tpu.memory_space<hbm>> -> memref<1x2x80xi32, #tpu.memory_space<hbm>>
        %dma_start3A_72 = tpu.memref_squeeze %dma_start3A_71 : memref<1x2x80xi32, #tpu.memory_space<hbm>> -> memref<2x80xi32, #tpu.memory_space<hbm>>
        tpu.enqueue_dma source(%dma_start3A_72 : memref<2x80xi32, #tpu.memory_space<hbm>>) target(%arg8 : memref<2x80xi32, #tpu.memory_space<vmem>>) target_semaphore(%run_scoped3A_64 : memref<!tpu.dma_semaphore, #tpu.memory_space<semaphore_mem>>)
        %dma_wait3A_73 = arith.constant 0 : i32
        %dma_wait3A_74 = arith.constant 0 : i32
        %dma_wait3A_75 = tpu.memref_slice %arg3[%add3A_31, %dma_wait3A_73, %dma_wait3A_74] : memref<4000x2x80xi32, #tpu.memory_space<hbm>> -> memref<1x2x80xi32, #tpu.memory_space<hbm>>
        %dma_wait3A_76 = tpu.memref_squeeze %dma_wait3A_75 : memref<1x2x80xi32, #tpu.memory_space<hbm>> -> memref<2x80xi32, #tpu.memory_space<hbm>>
        %dma_wait3A_77 = arith.constant 0 : i32
        %dma_wait3A_78 = arith.constant 0 : i32
        %dma_wait3A_79 = tpu.memref_slice %arg3[%add3A_31, %dma_wait3A_77, %dma_wait3A_78] : memref<4000x2x80xi32, #tpu.memory_space<hbm>> -> memref<1x2x80xi32, #tpu.memory_space<hbm>>
        %dma_wait3A_80 = tpu.memref_squeeze %dma_wait3A_79 : memref<1x2x80xi32, #tpu.memory_space<hbm>> -> memref<2x80xi32, #tpu.memory_space<hbm>>
        tpu.wait_dma2 semaphore(%run_scoped3A_64 : memref<!tpu.dma_semaphore, #tpu.memory_space<semaphore_mem>>) src(%dma_wait3A_80 : memref<2x80xi32, #tpu.memory_space<hbm>>) dst(%arg8 : memref<2x80xi32, #tpu.memory_space<vmem>>)
        tpu.yield
      }) : () -> ()
      %dma_start3A_32 = arith.constant 0 : i32
      %dma_start3A_33 = arith.constant 0 : i32
      %dma_start3A_34 = tpu.memref_slice %arg8[%dma_start3A_32, %dma_start3A_33] : memref<2x80xi32, #tpu.memory_space<vmem>> -> memref<1x80xi32, #tpu.memory_space<vmem>>
      %dma_start3A_35 = tpu.memref_squeeze %dma_start3A_34 : memref<1x80xi32, #tpu.memory_space<vmem>> -> memref<80xi32, #tpu.memory_space<vmem>>
      %dma_start3A_36 = arith.constant 0 : i32
      %dma_start3A_37 = arith.constant 0 : i32
      %dma_start3A_38 = tpu.memref_slice %arg2[%dma_start3A_36, %dma_start3A_37] : memref<10000x144xf32, #tpu.memory_space<hbm>> -> memref<10000x144xf32, #tpu.memory_space<hbm>>
      tpu.enqueue_indirect_dma source(%dma_start3A_38 : memref<10000x144xf32, #tpu.memory_space<hbm>>) target(%arg10 : memref<80x144xf32, #tpu.memory_space<vmem>>) offsets(%dma_start3A_35 : memref<80xi32, #tpu.memory_space<vmem>>) semaphore(%arg14 : memref<!tpu.dma_semaphore, #tpu.memory_space<semaphore_mem>>)
      %dma_wait3A_39 = arith.constant 0 : i32
      %dma_wait3A_40 = arith.constant 0 : i32
      %dma_wait3A_41 = tpu.memref_slice %arg7[%dma_wait3A_39, %dma_wait3A_40] : memref<2x80xi32, #tpu.memory_space<vmem>> -> memref<1x80xi32, #tpu.memory_space<vmem>>
      %dma_wait3A_42 = tpu.memref_squeeze %dma_wait3A_41 : memref<1x80xi32, #tpu.memory_space<vmem>> -> memref<80xi32, #tpu.memory_space<vmem>>
      %dma_wait3A_43 = arith.constant 0 : i32
      %dma_wait3A_44 = arith.constant 0 : i32
      %dma_wait3A_45 = tpu.memref_slice %arg2[%dma_wait3A_43, %dma_wait3A_44] : memref<10000x144xf32, #tpu.memory_space<hbm>> -> memref<10000x144xf32, #tpu.memory_space<hbm>>
      tpu.wait_indirect_dma semaphore(%arg13 : memref<!tpu.dma_semaphore, #tpu.memory_space<semaphore_mem>>) src(%dma_wait3A_45 : memref<10000x144xf32, #tpu.memory_space<hbm>>) dst(%arg9 : memref<80x144xf32, #tpu.memory_space<vmem>>)
      %run_scoped3A_46 = arith.constant 1 : i32
      "tpu.region"() ({
        %run_scoped3A_64 = tpu.sem_alloc : memref<!tpu.dma_semaphore, #tpu.memory_space<semaphore_mem>>
        %dma_start3A_65 = arith.constant 0 : i32
        %dma_start3A_66 = tpu.memref_slice %arg7[%run_scoped3A_46, %dma_start3A_65] : memref<2x80xi32, #tpu.memory_space<vmem>> -> memref<1x80xi32, #tpu.memory_space<vmem>>
        %dma_start3A_67 = tpu.memref_squeeze %dma_start3A_66 : memref<1x80xi32, #tpu.memory_space<vmem>> -> memref<80xi32, #tpu.memory_space<vmem>>
        %dma_start3A_68 = arith.constant 0 : i32
        %dma_start3A_69 = arith.constant 0 : i32
        %dma_start3A_70 = tpu.memref_slice %arg11[%dma_start3A_68, %dma_start3A_69] : memref<10240x144xf32, #tpu.memory_space<vmem_shared>> -> memref<10240x144xf32, #tpu.memory_space<vmem_shared>>
        tpu.enqueue_indirect_dma source(%arg9 : memref<80x144xf32, #tpu.memory_space<vmem>>) target(%dma_start3A_70 : memref<10240x144xf32, #tpu.memory_space<vmem_shared>>) offsets(%dma_start3A_67 : memref<80xi32, #tpu.memory_space<vmem>>) semaphore(%run_scoped3A_64 : memref<!tpu.dma_semaphore, #tpu.memory_space<semaphore_mem>>) {add = true}
        %dma_wait3A_71 = arith.constant 0 : i32
        %dma_wait3A_72 = tpu.memref_slice %arg7[%run_scoped3A_46, %dma_wait3A_71] : memref<2x80xi32, #tpu.memory_space<vmem>> -> memref<1x80xi32, #tpu.memory_space<vmem>>
        %dma_wait3A_73 = tpu.memref_squeeze %dma_wait3A_72 : memref<1x80xi32, #tpu.memory_space<vmem>> -> memref<80xi32, #tpu.memory_space<vmem>>
        %dma_wait3A_74 = arith.constant 0 : i32
        %dma_wait3A_75 = arith.constant 0 : i32
        %dma_wait3A_76 = tpu.memref_slice %arg11[%dma_wait3A_74, %dma_wait3A_75] : memref<10240x144xf32, #tpu.memory_space<vmem_shared>> -> memref<10240x144xf32, #tpu.memory_space<vmem_shared>>
        tpu.wait_indirect_dma semaphore(%run_scoped3A_64 : memref<!tpu.dma_semaphore, #tpu.memory_space<semaphore_mem>>) src(%arg9 : memref<80x144xf32, #tpu.memory_space<vmem>>) dst(%dma_wait3A_76 : memref<10240x144xf32, #tpu.memory_space<vmem_shared>>)
        tpu.yield
      }) : () -> ()
      %add3A_47 = arith.constant 2 : i32
      %add3A_48 = arith.addi %add3A_29, %add3A_47 : i32
      "tpu.region"() ({
        %run_scoped3A_64 = tpu.sem_alloc : memref<!tpu.dma_semaphore, #tpu.memory_space<semaphore_mem>>
        %dma_start3A_65 = arith.constant 0 : i32
        %dma_start3A_66 = arith.constant 0 : i32
        %dma_start3A_67 = tpu.memref_slice %arg3[%add3A_48, %dma_start3A_65, %dma_start3A_66] : memref<4000x2x80xi32, #tpu.memory_space<hbm>> -> memref<1x2x80xi32, #tpu.memory_space<hbm>>
        %dma_start3A_68 = tpu.memref_squeeze %dma_start3A_67 : memref<1x2x80xi32, #tpu.memory_space<hbm>> -> memref<2x80xi32, #tpu.memory_space<hbm>>
        %dma_start3A_69 = arith.constant 0 : i32
        %dma_start3A_70 = arith.constant 0 : i32
        %dma_start3A_71 = tpu.memref_slice %arg3[%add3A_48, %dma_start3A_69, %dma_start3A_70] : memref<4000x2x80xi32, #tpu.memory_space<hbm>> -> memref<1x2x80xi32, #tpu.memory_space<hbm>>
        %dma_start3A_72 = tpu.memref_squeeze %dma_start3A_71 : memref<1x2x80xi32, #tpu.memory_space<hbm>> -> memref<2x80xi32, #tpu.memory_space<hbm>>
        tpu.enqueue_dma source(%dma_start3A_72 : memref<2x80xi32, #tpu.memory_space<hbm>>) target(%arg7 : memref<2x80xi32, #tpu.memory_space<vmem>>) target_semaphore(%run_scoped3A_64 : memref<!tpu.dma_semaphore, #tpu.memory_space<semaphore_mem>>)
        %dma_wait3A_73 = arith.constant 0 : i32
        %dma_wait3A_74 = arith.constant 0 : i32
        %dma_wait3A_75 = tpu.memref_slice %arg3[%add3A_48, %dma_wait3A_73, %dma_wait3A_74] : memref<4000x2x80xi32, #tpu.memory_space<hbm>> -> memref<1x2x80xi32, #tpu.memory_space<hbm>>
        %dma_wait3A_76 = tpu.memref_squeeze %dma_wait3A_75 : memref<1x2x80xi32, #tpu.memory_space<hbm>> -> memref<2x80xi32, #tpu.memory_space<hbm>>
        %dma_wait3A_77 = arith.constant 0 : i32
        %dma_wait3A_78 = arith.constant 0 : i32
        %dma_wait3A_79 = tpu.memref_slice %arg3[%add3A_48, %dma_wait3A_77, %dma_wait3A_78] : memref<4000x2x80xi32, #tpu.memory_space<hbm>> -> memref<1x2x80xi32, #tpu.memory_space<hbm>>
        %dma_wait3A_80 = tpu.memref_squeeze %dma_wait3A_79 : memref<1x2x80xi32, #tpu.memory_space<hbm>> -> memref<2x80xi32, #tpu.memory_space<hbm>>
        tpu.wait_dma2 semaphore(%run_scoped3A_64 : memref<!tpu.dma_semaphore, #tpu.memory_space<semaphore_mem>>) src(%dma_wait3A_80 : memref<2x80xi32, #tpu.memory_space<hbm>>) dst(%arg7 : memref<2x80xi32, #tpu.memory_space<vmem>>)
        tpu.yield
      }) : () -> ()
      %dma_start3A_49 = arith.constant 0 : i32
      %dma_start3A_50 = arith.constant 0 : i32
      %dma_start3A_51 = tpu.memref_slice %arg7[%dma_start3A_49, %dma_start3A_50] : memref<2x80xi32, #tpu.memory_space<vmem>> -> memref<1x80xi32, #tpu.memory_space<vmem>>
      %dma_start3A_52 = tpu.memref_squeeze %dma_start3A_51 : memref<1x80xi32, #tpu.memory_space<vmem>> -> memref<80xi32, #tpu.memory_space<vmem>>
      %dma_start3A_53 = arith.constant 0 : i32
      %dma_start3A_54 = arith.constant 0 : i32
      %dma_start3A_55 = tpu.memref_slice %arg2[%dma_start3A_53, %dma_start3A_54] : memref<10000x144xf32, #tpu.memory_space<hbm>> -> memref<10000x144xf32, #tpu.memory_space<hbm>>
      tpu.enqueue_indirect_dma source(%dma_start3A_55 : memref<10000x144xf32, #tpu.memory_space<hbm>>) target(%arg9 : memref<80x144xf32, #tpu.memory_space<vmem>>) offsets(%dma_start3A_52 : memref<80xi32, #tpu.memory_space<vmem>>) semaphore(%arg13 : memref<!tpu.dma_semaphore, #tpu.memory_space<semaphore_mem>>)
      %dma_wait3A_56 = arith.constant 0 : i32
      %dma_wait3A_57 = arith.constant 0 : i32
      %dma_wait3A_58 = tpu.memref_slice %arg8[%dma_wait3A_56, %dma_wait3A_57] : memref<2x80xi32, #tpu.memory_space<vmem>> -> memref<1x80xi32, #tpu.memory_space<vmem>>
      %dma_wait3A_59 = tpu.memref_squeeze %dma_wait3A_58 : memref<1x80xi32, #tpu.memory_space<vmem>> -> memref<80xi32, #tpu.memory_space<vmem>>
      %dma_wait3A_60 = arith.constant 0 : i32
      %dma_wait3A_61 = arith.constant 0 : i32
      %dma_wait3A_62 = tpu.memref_slice %arg2[%dma_wait3A_60, %dma_wait3A_61] : memref<10000x144xf32, #tpu.memory_space<hbm>> -> memref<10000x144xf32, #tpu.memory_space<hbm>>
      tpu.wait_indirect_dma semaphore(%arg14 : memref<!tpu.dma_semaphore, #tpu.memory_space<semaphore_mem>>) src(%dma_wait3A_62 : memref<10000x144xf32, #tpu.memory_space<hbm>>) dst(%arg10 : memref<80x144xf32, #tpu.memory_space<vmem>>)
      %run_scoped3A_63 = arith.constant 1 : i32
      "tpu.region"() ({
        %run_scoped3A_64 = tpu.sem_alloc : memref<!tpu.dma_semaphore, #tpu.memory_space<semaphore_mem>>
        %dma_start3A_65 = arith.constant 0 : i32
        %dma_start3A_66 = tpu.memref_slice %arg8[%run_scoped3A_63, %dma_start3A_65] : memref<2x80xi32, #tpu.memory_space<vmem>> -> memref<1x80xi32, #tpu.memory_space<vmem>>
        %dma_start3A_67 = tpu.memref_squeeze %dma_start3A_66 : memref<1x80xi32, #tpu.memory_space<vmem>> -> memref<80xi32, #tpu.memory_space<vmem>>
        %dma_start3A_68 = arith.constant 0 : i32
        %dma_start3A_69 = arith.constant 0 : i32
        %dma_start3A_70 = tpu.memref_slice %arg11[%dma_start3A_68, %dma_start3A_69] : memref<10240x144xf32, #tpu.memory_space<vmem_shared>> -> memref<10240x144xf32, #tpu.memory_space<vmem_shared>>
        tpu.enqueue_indirect_dma source(%arg10 : memref<80x144xf32, #tpu.memory_space<vmem>>) target(%dma_start3A_70 : memref<10240x144xf32, #tpu.memory_space<vmem_shared>>) offsets(%dma_start3A_67 : memref<80xi32, #tpu.memory_space<vmem>>) semaphore(%run_scoped3A_64 : memref<!tpu.dma_semaphore, #tpu.memory_space<semaphore_mem>>) {add = true}
        %dma_wait3A_71 = arith.constant 0 : i32
        %dma_wait3A_72 = tpu.memref_slice %arg8[%run_scoped3A_63, %dma_wait3A_71] : memref<2x80xi32, #tpu.memory_space<vmem>> -> memref<1x80xi32, #tpu.memory_space<vmem>>
        %dma_wait3A_73 = tpu.memref_squeeze %dma_wait3A_72 : memref<1x80xi32, #tpu.memory_space<vmem>> -> memref<80xi32, #tpu.memory_space<vmem>>
        %dma_wait3A_74 = arith.constant 0 : i32
        %dma_wait3A_75 = arith.constant 0 : i32
        %dma_wait3A_76 = tpu.memref_slice %arg11[%dma_wait3A_74, %dma_wait3A_75] : memref<10240x144xf32, #tpu.memory_space<vmem_shared>> -> memref<10240x144xf32, #tpu.memory_space<vmem_shared>>
        tpu.wait_indirect_dma semaphore(%run_scoped3A_64 : memref<!tpu.dma_semaphore, #tpu.memory_space<semaphore_mem>>) src(%arg10 : memref<80x144xf32, #tpu.memory_space<vmem>>) dst(%dma_wait3A_76 : memref<10240x144xf32, #tpu.memory_space<vmem_shared>>)
        tpu.yield
      }) : () -> ()
    }
    %scan3A_17 = arith.constant 62 : i32
    %dma_wait3A_18 = arith.constant 0 : i32
    %dma_wait3A_19 = arith.constant 0 : i32
    %dma_wait3A_20 = tpu.memref_slice %arg7[%dma_wait3A_18, %dma_wait3A_19] : memref<2x80xi32, #tpu.memory_space<vmem>> -> memref<1x80xi32, #tpu.memory_space<vmem>>
    %dma_wait3A_21 = tpu.memref_squeeze %dma_wait3A_20 : memref<1x80xi32, #tpu.memory_space<vmem>> -> memref<80xi32, #tpu.memory_space<vmem>>
    %dma_wait3A_22 = arith.constant 0 : i32
    %dma_wait3A_23 = arith.constant 0 : i32
    %dma_wait3A_24 = tpu.memref_slice %arg2[%dma_wait3A_22, %dma_wait3A_23] : memref<10000x144xf32, #tpu.memory_space<hbm>> -> memref<10000x144xf32, #tpu.memory_space<hbm>>
    tpu.wait_indirect_dma semaphore(%arg13 : memref<!tpu.dma_semaphore, #tpu.memory_space<semaphore_mem>>) src(%dma_wait3A_24 : memref<10000x144xf32, #tpu.memory_space<hbm>>) dst(%arg9 : memref<80x144xf32, #tpu.memory_space<vmem>>)
    %run_scoped3A = arith.constant 1 : i32
    "tpu.region"() ({
      %run_scoped3A_26 = tpu.sem_alloc : memref<!tpu.dma_semaphore, #tpu.memory_space<semaphore_mem>>
      %dma_start3A_27 = arith.constant 0 : i32
      %dma_start3A_28 = tpu.memref_slice %arg7[%run_scoped3A, %dma_start3A_27] : memref<2x80xi32, #tpu.memory_space<vmem>> -> memref<1x80xi32, #tpu.memory_space<vmem>>
      %dma_start3A_29 = tpu.memref_squeeze %dma_start3A_28 : memref<1x80xi32, #tpu.memory_space<vmem>> -> memref<80xi32, #tpu.memory_space<vmem>>
      %dma_start3A_30 = arith.constant 0 : i32
      %dma_start3A_31 = arith.constant 0 : i32
      %dma_start3A_32 = tpu.memref_slice %arg11[%dma_start3A_30, %dma_start3A_31] : memref<10240x144xf32, #tpu.memory_space<vmem_shared>> -> memref<10240x144xf32, #tpu.memory_space<vmem_shared>>
      tpu.enqueue_indirect_dma source(%arg9 : memref<80x144xf32, #tpu.memory_space<vmem>>) target(%dma_start3A_32 : memref<10240x144xf32, #tpu.memory_space<vmem_shared>>) offsets(%dma_start3A_29 : memref<80xi32, #tpu.memory_space<vmem>>) semaphore(%run_scoped3A_26 : memref<!tpu.dma_semaphore, #tpu.memory_space<semaphore_mem>>) {add = true}
      %dma_wait3A_33 = arith.constant 0 : i32
      %dma_wait3A_34 = tpu.memref_slice %arg7[%run_scoped3A, %dma_wait3A_33] : memref<2x80xi32, #tpu.memory_space<vmem>> -> memref<1x80xi32, #tpu.memory_space<vmem>>
      %dma_wait3A_35 = tpu.memref_squeeze %dma_wait3A_34 : memref<1x80xi32, #tpu.memory_space<vmem>> -> memref<80xi32, #tpu.memory_space<vmem>>
      %dma_wait3A_36 = arith.constant 0 : i32
      %dma_wait3A_37 = arith.constant 0 : i32
      %dma_wait3A_38 = tpu.memref_slice %arg11[%dma_wait3A_36, %dma_wait3A_37] : memref<10240x144xf32, #tpu.memory_space<vmem_shared>> -> memref<10240x144xf32, #tpu.memory_space<vmem_shared>>
      tpu.wait_indirect_dma semaphore(%run_scoped3A_26 : memref<!tpu.dma_semaphore, #tpu.memory_space<semaphore_mem>>) src(%arg9 : memref<80x144xf32, #tpu.memory_space<vmem>>) dst(%dma_wait3A_38 : memref<10240x144xf32, #tpu.memory_space<vmem_shared>>)
      tpu.yield
    }) : () -> ()
    %barrier3A_25 = arith.constant 0 : index
    tpu.barrier barrier_id(%barrier3A_25)
    "tpu.region"() ({
      %run_scoped3A_26 = tpu.sem_alloc : memref<!tpu.dma_semaphore, #tpu.memory_space<semaphore_mem>>
      %dma_start3A_27 = arith.constant 0 : i32
      %dma_start3A_28 = tpu.memref_slice %arg5[%arg0, %mul3A_4, %dma_start3A_27] : memref<2x10240x128xf32, #tpu.memory_space<hbm>> -> memref<1x640x128xf32, #tpu.memory_space<hbm>>
      %dma_start3A_29 = tpu.memref_squeeze %dma_start3A_28 : memref<1x640x128xf32, #tpu.memory_space<hbm>> -> memref<640x128xf32, #tpu.memory_space<hbm>>
      %dma_start3A_30 = arith.constant 0 : i32
      %dma_start3A_31 = tpu.memref_slice %arg11[%mul3A_4, %dma_start3A_30] : memref<10240x144xf32, #tpu.memory_space<vmem_shared>> -> memref<640x128xf32, #tpu.memory_space<vmem_shared>>
      tpu.enqueue_dma source(%dma_start3A_31 : memref<640x128xf32, #tpu.memory_space<vmem_shared>>) target(%dma_start3A_29 : memref<640x128xf32, #tpu.memory_space<hbm>>) target_semaphore(%run_scoped3A_26 : memref<!tpu.dma_semaphore, #tpu.memory_space<semaphore_mem>>)
      %dma_wait3A_32 = arith.constant 0 : i32
      %dma_wait3A_33 = tpu.memref_slice %arg5[%arg0, %mul3A_4, %dma_wait3A_32] : memref<2x10240x128xf32, #tpu.memory_space<hbm>> -> memref<1x640x128xf32, #tpu.memory_space<hbm>>
      %dma_wait3A_34 = tpu.memref_squeeze %dma_wait3A_33 : memref<1x640x128xf32, #tpu.memory_space<hbm>> -> memref<640x128xf32, #tpu.memory_space<hbm>>
      %dma_wait3A_35 = arith.constant 0 : i32
      %dma_wait3A_36 = tpu.memref_slice %arg11[%mul3A_4, %dma_wait3A_35] : memref<10240x144xf32, #tpu.memory_space<vmem_shared>> -> memref<640x128xf32, #tpu.memory_space<vmem_shared>>
      tpu.wait_dma2 semaphore(%run_scoped3A_26 : memref<!tpu.dma_semaphore, #tpu.memory_space<semaphore_mem>>) src(%dma_wait3A_36 : memref<640x128xf32, #tpu.memory_space<vmem_shared>>) dst(%dma_wait3A_34 : memref<640x128xf32, #tpu.memory_space<hbm>>)
      tpu.yield
    }) : () -> ()
    "tpu.region"() ({
      %run_scoped3A_26 = tpu.sem_alloc : memref<!tpu.dma_semaphore, #tpu.memory_space<semaphore_mem>>
      %dma_start3A_27 = arith.constant 0 : i32
      %dma_start3A_28 = tpu.memref_slice %arg6[%arg0, %mul3A_4, %dma_start3A_27] : memref<2x10240x16xf32, #tpu.memory_space<hbm>> -> memref<1x640x16xf32, #tpu.memory_space<hbm>>
      %dma_start3A_29 = tpu.memref_squeeze %dma_start3A_28 : memref<1x640x16xf32, #tpu.memory_space<hbm>> -> memref<640x16xf32, #tpu.memory_space<hbm>>
      %dma_start3A_30 = arith.constant 128 : i32
      %dma_start3A_31 = tpu.memref_slice %arg11[%mul3A_4, %dma_start3A_30] : memref<10240x144xf32, #tpu.memory_space<vmem_shared>> -> memref<640x16xf32, #tpu.memory_space<vmem_shared>>
      tpu.enqueue_dma source(%dma_start3A_31 : memref<640x16xf32, #tpu.memory_space<vmem_shared>>) target(%dma_start3A_29 : memref<640x16xf32, #tpu.memory_space<hbm>>) target_semaphore(%run_scoped3A_26 : memref<!tpu.dma_semaphore, #tpu.memory_space<semaphore_mem>>)
      %dma_wait3A_32 = arith.constant 0 : i32
      %dma_wait3A_33 = tpu.memref_slice %arg6[%arg0, %mul3A_4, %dma_wait3A_32] : memref<2x10240x16xf32, #tpu.memory_space<hbm>> -> memref<1x640x16xf32, #tpu.memory_space<hbm>>
      %dma_wait3A_34 = tpu.memref_squeeze %dma_wait3A_33 : memref<1x640x16xf32, #tpu.memory_space<hbm>> -> memref<640x16xf32, #tpu.memory_space<hbm>>
      %dma_wait3A_35 = arith.constant 128 : i32
      %dma_wait3A_36 = tpu.memref_slice %arg11[%mul3A_4, %dma_wait3A_35] : memref<10240x144xf32, #tpu.memory_space<vmem_shared>> -> memref<640x16xf32, #tpu.memory_space<vmem_shared>>
      tpu.wait_dma2 semaphore(%run_scoped3A_26 : memref<!tpu.dma_semaphore, #tpu.memory_space<semaphore_mem>>) src(%dma_wait3A_36 : memref<640x16xf32, #tpu.memory_space<vmem_shared>>) dst(%dma_wait3A_34 : memref<640x16xf32, #tpu.memory_space<hbm>>)
      tpu.yield
    }) : () -> ()
    return
  }
}

#map = affine_map<(d0, d1) -> (0, 0)>
#map1 = affine_map<(d0, d1) -> (0, 0, 0)>
module attributes {stable_mosaic.version = 14 : i64} {
  func.func @sc_kernel(%arg0: i32, %arg1: i32, %arg2: memref<10000x128xf32, #tpu.memory_space<hbm>>, %arg3: memref<4000x2x80xi32, #tpu.memory_space<hbm>>, %arg4: memref<640x128xf32, #tpu.memory_space<hbm>>, %arg5: memref<2x10240x128xf32, #tpu.memory_space<hbm>>, %arg6: memref<2x80xi32, #tpu.memory_space<vmem>>, %arg7: memref<2x80xi32, #tpu.memory_space<vmem>>, %arg8: memref<80x128xf32, #tpu.memory_space<vmem>>, %arg9: memref<80x128xf32, #tpu.memory_space<vmem>>, %arg10: memref<10240x128xf32, #tpu.memory_space<vmem_shared>>, %arg11: memref<!tpu.dma_semaphore, #tpu.memory_space<semaphore_mem>>, %arg12: memref<!tpu.dma_semaphore, #tpu.memory_space<semaphore_mem>>, %arg13: memref<!tpu.dma_semaphore, #tpu.memory_space<semaphore_mem>>) attributes {dimension_semantics = [#tpu.dimension_semantics<core_parallel>, #tpu.dimension_semantics<subcore_parallel>], iteration_bounds = array<i64: 2, 16>, scalar_prefetch = 0 : i64, scratch_operands = 8 : i64, tpu.core_type = #tpu.core_type<sc_vector_subcore>, window_params = [{transform_indices = #map}, {transform_indices = #map1}, {transform_indices = #map}, {transform_indices = #map1}]} {
    %mul3A = arith.constant 16 : i32
    %mul3A_0 = arith.muli %arg0, %mul3A : i32
    %add3A = arith.addi %mul3A_0, %arg1 : i32
    %mul3A_1 = arith.constant 125 : i32
    %mul3A_2 = arith.muli %add3A, %mul3A_1 : i32
    %mul3A_3 = arith.constant 640 : i32
    %mul3A_4 = arith.muli %arg1, %mul3A_3 : i32
    %dma_start3A = arith.constant 0 : i32
    %dma_start3A_5 = tpu.memref_slice %arg10[%mul3A_4, %dma_start3A] : memref<10240x128xf32, #tpu.memory_space<vmem_shared>> -> memref<640x128xf32, #tpu.memory_space<vmem_shared>>
    tpu.enqueue_dma source(%arg4 : memref<640x128xf32, #tpu.memory_space<hbm>>) target(%dma_start3A_5 : memref<640x128xf32, #tpu.memory_space<vmem_shared>>) target_semaphore(%arg11 : memref<!tpu.dma_semaphore, #tpu.memory_space<semaphore_mem>>)
    "tpu.region"() ({
      %run_scoped3A_26 = tpu.sem_alloc : memref<!tpu.dma_semaphore, #tpu.memory_space<semaphore_mem>>
      %dma_start3A_27 = arith.constant 0 : i32
      %dma_start3A_28 = arith.constant 0 : i32
      %dma_start3A_29 = tpu.memref_slice %arg3[%mul3A_2, %dma_start3A_27, %dma_start3A_28] : memref<4000x2x80xi32, #tpu.memory_space<hbm>> -> memref<1x2x80xi32, #tpu.memory_space<hbm>>
      %dma_start3A_30 = tpu.memref_squeeze %dma_start3A_29 : memref<1x2x80xi32, #tpu.memory_space<hbm>> -> memref<2x80xi32, #tpu.memory_space<hbm>>
      %dma_start3A_31 = arith.constant 0 : i32
      %dma_start3A_32 = arith.constant 0 : i32
      %dma_start3A_33 = tpu.memref_slice %arg3[%mul3A_2, %dma_start3A_31, %dma_start3A_32] : memref<4000x2x80xi32, #tpu.memory_space<hbm>> -> memref<1x2x80xi32, #tpu.memory_space<hbm>>
      %dma_start3A_34 = tpu.memref_squeeze %dma_start3A_33 : memref<1x2x80xi32, #tpu.memory_space<hbm>> -> memref<2x80xi32, #tpu.memory_space<hbm>>
      tpu.enqueue_dma source(%dma_start3A_34 : memref<2x80xi32, #tpu.memory_space<hbm>>) target(%arg6 : memref<2x80xi32, #tpu.memory_space<vmem>>) target_semaphore(%run_scoped3A_26 : memref<!tpu.dma_semaphore, #tpu.memory_space<semaphore_mem>>)
      %dma_wait3A_35 = arith.constant 0 : i32
      %dma_wait3A_36 = arith.constant 0 : i32
      %dma_wait3A_37 = tpu.memref_slice %arg3[%mul3A_2, %dma_wait3A_35, %dma_wait3A_36] : memref<4000x2x80xi32, #tpu.memory_space<hbm>> -> memref<1x2x80xi32, #tpu.memory_space<hbm>>
      %dma_wait3A_38 = tpu.memref_squeeze %dma_wait3A_37 : memref<1x2x80xi32, #tpu.memory_space<hbm>> -> memref<2x80xi32, #tpu.memory_space<hbm>>
      %dma_wait3A_39 = arith.constant 0 : i32
      %dma_wait3A_40 = arith.constant 0 : i32
      %dma_wait3A_41 = tpu.memref_slice %arg3[%mul3A_2, %dma_wait3A_39, %dma_wait3A_40] : memref<4000x2x80xi32, #tpu.memory_space<hbm>> -> memref<1x2x80xi32, #tpu.memory_space<hbm>>
      %dma_wait3A_42 = tpu.memref_squeeze %dma_wait3A_41 : memref<1x2x80xi32, #tpu.memory_space<hbm>> -> memref<2x80xi32, #tpu.memory_space<hbm>>
      tpu.wait_dma2 semaphore(%run_scoped3A_26 : memref<!tpu.dma_semaphore, #tpu.memory_space<semaphore_mem>>) src(%dma_wait3A_42 : memref<2x80xi32, #tpu.memory_space<hbm>>) dst(%arg6 : memref<2x80xi32, #tpu.memory_space<vmem>>)
      tpu.yield
    }) : () -> ()
    %dma_start3A_6 = arith.constant 0 : i32
    %dma_start3A_7 = arith.constant 0 : i32
    %dma_start3A_8 = tpu.memref_slice %arg6[%dma_start3A_6, %dma_start3A_7] : memref<2x80xi32, #tpu.memory_space<vmem>> -> memref<1x80xi32, #tpu.memory_space<vmem>>
    %dma_start3A_9 = tpu.memref_squeeze %dma_start3A_8 : memref<1x80xi32, #tpu.memory_space<vmem>> -> memref<80xi32, #tpu.memory_space<vmem>>
    %dma_start3A_10 = arith.constant 0 : i32
    %dma_start3A_11 = arith.constant 0 : i32
    %dma_start3A_12 = tpu.memref_slice %arg2[%dma_start3A_10, %dma_start3A_11] : memref<10000x128xf32, #tpu.memory_space<hbm>> -> memref<10000x128xf32, #tpu.memory_space<hbm>>
    tpu.enqueue_indirect_dma source(%dma_start3A_12 : memref<10000x128xf32, #tpu.memory_space<hbm>>) target(%arg8 : memref<80x128xf32, #tpu.memory_space<vmem>>) offsets(%dma_start3A_9 : memref<80xi32, #tpu.memory_space<vmem>>) semaphore(%arg12 : memref<!tpu.dma_semaphore, #tpu.memory_space<semaphore_mem>>)
    %dma_wait3A = arith.constant 0 : i32
    %dma_wait3A_13 = tpu.memref_slice %arg10[%mul3A_4, %dma_wait3A] : memref<10240x128xf32, #tpu.memory_space<vmem_shared>> -> memref<640x128xf32, #tpu.memory_space<vmem_shared>>
    tpu.wait_dma2 semaphore(%arg11 : memref<!tpu.dma_semaphore, #tpu.memory_space<semaphore_mem>>) src(%arg4 : memref<640x128xf32, #tpu.memory_space<hbm>>) dst(%dma_wait3A_13 : memref<640x128xf32, #tpu.memory_space<vmem_shared>>)
    %barrier3A = arith.constant 0 : index
    tpu.barrier barrier_id(%barrier3A)
    %scan3A = arith.constant 0 : i32
    %scan3A_14 = arith.constant 62 : i32
    %scan3A_15 = arith.addi %scan3A, %scan3A_14 : i32
    %scan3A_16 = arith.constant 1 : i32
    scf.for %scan3A_26 = %scan3A to %scan3A_15 step %scan3A_16  : i32 {
      %mul3A_27 = arith.constant 2 : i32
      %mul3A_28 = arith.muli %mul3A_27, %scan3A_26 : i32
      %add3A_29 = arith.addi %mul3A_2, %mul3A_28 : i32
      %add3A_30 = arith.constant 1 : i32
      %add3A_31 = arith.addi %add3A_29, %add3A_30 : i32
      "tpu.region"() ({
        %run_scoped3A_64 = tpu.sem_alloc : memref<!tpu.dma_semaphore, #tpu.memory_space<semaphore_mem>>
        %dma_start3A_65 = arith.constant 0 : i32
        %dma_start3A_66 = arith.constant 0 : i32
        %dma_start3A_67 = tpu.memref_slice %arg3[%add3A_31, %dma_start3A_65, %dma_start3A_66] : memref<4000x2x80xi32, #tpu.memory_space<hbm>> -> memref<1x2x80xi32, #tpu.memory_space<hbm>>
        %dma_start3A_68 = tpu.memref_squeeze %dma_start3A_67 : memref<1x2x80xi32, #tpu.memory_space<hbm>> -> memref<2x80xi32, #tpu.memory_space<hbm>>
        %dma_start3A_69 = arith.constant 0 : i32
        %dma_start3A_70 = arith.constant 0 : i32
        %dma_start3A_71 = tpu.memref_slice %arg3[%add3A_31, %dma_start3A_69, %dma_start3A_70] : memref<4000x2x80xi32, #tpu.memory_space<hbm>> -> memref<1x2x80xi32, #tpu.memory_space<hbm>>
        %dma_start3A_72 = tpu.memref_squeeze %dma_start3A_71 : memref<1x2x80xi32, #tpu.memory_space<hbm>> -> memref<2x80xi32, #tpu.memory_space<hbm>>
        tpu.enqueue_dma source(%dma_start3A_72 : memref<2x80xi32, #tpu.memory_space<hbm>>) target(%arg7 : memref<2x80xi32, #tpu.memory_space<vmem>>) target_semaphore(%run_scoped3A_64 : memref<!tpu.dma_semaphore, #tpu.memory_space<semaphore_mem>>)
        %dma_wait3A_73 = arith.constant 0 : i32
        %dma_wait3A_74 = arith.constant 0 : i32
        %dma_wait3A_75 = tpu.memref_slice %arg3[%add3A_31, %dma_wait3A_73, %dma_wait3A_74] : memref<4000x2x80xi32, #tpu.memory_space<hbm>> -> memref<1x2x80xi32, #tpu.memory_space<hbm>>
        %dma_wait3A_76 = tpu.memref_squeeze %dma_wait3A_75 : memref<1x2x80xi32, #tpu.memory_space<hbm>> -> memref<2x80xi32, #tpu.memory_space<hbm>>
        %dma_wait3A_77 = arith.constant 0 : i32
        %dma_wait3A_78 = arith.constant 0 : i32
        %dma_wait3A_79 = tpu.memref_slice %arg3[%add3A_31, %dma_wait3A_77, %dma_wait3A_78] : memref<4000x2x80xi32, #tpu.memory_space<hbm>> -> memref<1x2x80xi32, #tpu.memory_space<hbm>>
        %dma_wait3A_80 = tpu.memref_squeeze %dma_wait3A_79 : memref<1x2x80xi32, #tpu.memory_space<hbm>> -> memref<2x80xi32, #tpu.memory_space<hbm>>
        tpu.wait_dma2 semaphore(%run_scoped3A_64 : memref<!tpu.dma_semaphore, #tpu.memory_space<semaphore_mem>>) src(%dma_wait3A_80 : memref<2x80xi32, #tpu.memory_space<hbm>>) dst(%arg7 : memref<2x80xi32, #tpu.memory_space<vmem>>)
        tpu.yield
      }) : () -> ()
      %dma_start3A_32 = arith.constant 0 : i32
      %dma_start3A_33 = arith.constant 0 : i32
      %dma_start3A_34 = tpu.memref_slice %arg7[%dma_start3A_32, %dma_start3A_33] : memref<2x80xi32, #tpu.memory_space<vmem>> -> memref<1x80xi32, #tpu.memory_space<vmem>>
      %dma_start3A_35 = tpu.memref_squeeze %dma_start3A_34 : memref<1x80xi32, #tpu.memory_space<vmem>> -> memref<80xi32, #tpu.memory_space<vmem>>
      %dma_start3A_36 = arith.constant 0 : i32
      %dma_start3A_37 = arith.constant 0 : i32
      %dma_start3A_38 = tpu.memref_slice %arg2[%dma_start3A_36, %dma_start3A_37] : memref<10000x128xf32, #tpu.memory_space<hbm>> -> memref<10000x128xf32, #tpu.memory_space<hbm>>
      tpu.enqueue_indirect_dma source(%dma_start3A_38 : memref<10000x128xf32, #tpu.memory_space<hbm>>) target(%arg9 : memref<80x128xf32, #tpu.memory_space<vmem>>) offsets(%dma_start3A_35 : memref<80xi32, #tpu.memory_space<vmem>>) semaphore(%arg13 : memref<!tpu.dma_semaphore, #tpu.memory_space<semaphore_mem>>)
      %dma_wait3A_39 = arith.constant 0 : i32
      %dma_wait3A_40 = arith.constant 0 : i32
      %dma_wait3A_41 = tpu.memref_slice %arg6[%dma_wait3A_39, %dma_wait3A_40] : memref<2x80xi32, #tpu.memory_space<vmem>> -> memref<1x80xi32, #tpu.memory_space<vmem>>
      %dma_wait3A_42 = tpu.memref_squeeze %dma_wait3A_41 : memref<1x80xi32, #tpu.memory_space<vmem>> -> memref<80xi32, #tpu.memory_space<vmem>>
      %dma_wait3A_43 = arith.constant 0 : i32
      %dma_wait3A_44 = arith.constant 0 : i32
      %dma_wait3A_45 = tpu.memref_slice %arg2[%dma_wait3A_43, %dma_wait3A_44] : memref<10000x128xf32, #tpu.memory_space<hbm>> -> memref<10000x128xf32, #tpu.memory_space<hbm>>
      tpu.wait_indirect_dma semaphore(%arg12 : memref<!tpu.dma_semaphore, #tpu.memory_space<semaphore_mem>>) src(%dma_wait3A_45 : memref<10000x128xf32, #tpu.memory_space<hbm>>) dst(%arg8 : memref<80x128xf32, #tpu.memory_space<vmem>>)
      %run_scoped3A_46 = arith.constant 1 : i32
      "tpu.region"() ({
        %run_scoped3A_64 = tpu.sem_alloc : memref<!tpu.dma_semaphore, #tpu.memory_space<semaphore_mem>>
        %dma_start3A_65 = arith.constant 0 : i32
        %dma_start3A_66 = tpu.memref_slice %arg6[%run_scoped3A_46, %dma_start3A_65] : memref<2x80xi32, #tpu.memory_space<vmem>> -> memref<1x80xi32, #tpu.memory_space<vmem>>
        %dma_start3A_67 = tpu.memref_squeeze %dma_start3A_66 : memref<1x80xi32, #tpu.memory_space<vmem>> -> memref<80xi32, #tpu.memory_space<vmem>>
        %dma_start3A_68 = arith.constant 0 : i32
        %dma_start3A_69 = arith.constant 0 : i32
        %dma_start3A_70 = tpu.memref_slice %arg10[%dma_start3A_68, %dma_start3A_69] : memref<10240x128xf32, #tpu.memory_space<vmem_shared>> -> memref<10240x128xf32, #tpu.memory_space<vmem_shared>>
        tpu.enqueue_indirect_dma source(%arg8 : memref<80x128xf32, #tpu.memory_space<vmem>>) target(%dma_start3A_70 : memref<10240x128xf32, #tpu.memory_space<vmem_shared>>) offsets(%dma_start3A_67 : memref<80xi32, #tpu.memory_space<vmem>>) semaphore(%run_scoped3A_64 : memref<!tpu.dma_semaphore, #tpu.memory_space<semaphore_mem>>) {add = true}
        %dma_wait3A_71 = arith.constant 0 : i32
        %dma_wait3A_72 = tpu.memref_slice %arg6[%run_scoped3A_46, %dma_wait3A_71] : memref<2x80xi32, #tpu.memory_space<vmem>> -> memref<1x80xi32, #tpu.memory_space<vmem>>
        %dma_wait3A_73 = tpu.memref_squeeze %dma_wait3A_72 : memref<1x80xi32, #tpu.memory_space<vmem>> -> memref<80xi32, #tpu.memory_space<vmem>>
        %dma_wait3A_74 = arith.constant 0 : i32
        %dma_wait3A_75 = arith.constant 0 : i32
        %dma_wait3A_76 = tpu.memref_slice %arg10[%dma_wait3A_74, %dma_wait3A_75] : memref<10240x128xf32, #tpu.memory_space<vmem_shared>> -> memref<10240x128xf32, #tpu.memory_space<vmem_shared>>
        tpu.wait_indirect_dma semaphore(%run_scoped3A_64 : memref<!tpu.dma_semaphore, #tpu.memory_space<semaphore_mem>>) src(%arg8 : memref<80x128xf32, #tpu.memory_space<vmem>>) dst(%dma_wait3A_76 : memref<10240x128xf32, #tpu.memory_space<vmem_shared>>)
        tpu.yield
      }) : () -> ()
      %add3A_47 = arith.constant 2 : i32
      %add3A_48 = arith.addi %add3A_29, %add3A_47 : i32
      "tpu.region"() ({
        %run_scoped3A_64 = tpu.sem_alloc : memref<!tpu.dma_semaphore, #tpu.memory_space<semaphore_mem>>
        %dma_start3A_65 = arith.constant 0 : i32
        %dma_start3A_66 = arith.constant 0 : i32
        %dma_start3A_67 = tpu.memref_slice %arg3[%add3A_48, %dma_start3A_65, %dma_start3A_66] : memref<4000x2x80xi32, #tpu.memory_space<hbm>> -> memref<1x2x80xi32, #tpu.memory_space<hbm>>
        %dma_start3A_68 = tpu.memref_squeeze %dma_start3A_67 : memref<1x2x80xi32, #tpu.memory_space<hbm>> -> memref<2x80xi32, #tpu.memory_space<hbm>>
        %dma_start3A_69 = arith.constant 0 : i32
        %dma_start3A_70 = arith.constant 0 : i32
        %dma_start3A_71 = tpu.memref_slice %arg3[%add3A_48, %dma_start3A_69, %dma_start3A_70] : memref<4000x2x80xi32, #tpu.memory_space<hbm>> -> memref<1x2x80xi32, #tpu.memory_space<hbm>>
        %dma_start3A_72 = tpu.memref_squeeze %dma_start3A_71 : memref<1x2x80xi32, #tpu.memory_space<hbm>> -> memref<2x80xi32, #tpu.memory_space<hbm>>
        tpu.enqueue_dma source(%dma_start3A_72 : memref<2x80xi32, #tpu.memory_space<hbm>>) target(%arg6 : memref<2x80xi32, #tpu.memory_space<vmem>>) target_semaphore(%run_scoped3A_64 : memref<!tpu.dma_semaphore, #tpu.memory_space<semaphore_mem>>)
        %dma_wait3A_73 = arith.constant 0 : i32
        %dma_wait3A_74 = arith.constant 0 : i32
        %dma_wait3A_75 = tpu.memref_slice %arg3[%add3A_48, %dma_wait3A_73, %dma_wait3A_74] : memref<4000x2x80xi32, #tpu.memory_space<hbm>> -> memref<1x2x80xi32, #tpu.memory_space<hbm>>
        %dma_wait3A_76 = tpu.memref_squeeze %dma_wait3A_75 : memref<1x2x80xi32, #tpu.memory_space<hbm>> -> memref<2x80xi32, #tpu.memory_space<hbm>>
        %dma_wait3A_77 = arith.constant 0 : i32
        %dma_wait3A_78 = arith.constant 0 : i32
        %dma_wait3A_79 = tpu.memref_slice %arg3[%add3A_48, %dma_wait3A_77, %dma_wait3A_78] : memref<4000x2x80xi32, #tpu.memory_space<hbm>> -> memref<1x2x80xi32, #tpu.memory_space<hbm>>
        %dma_wait3A_80 = tpu.memref_squeeze %dma_wait3A_79 : memref<1x2x80xi32, #tpu.memory_space<hbm>> -> memref<2x80xi32, #tpu.memory_space<hbm>>
        tpu.wait_dma2 semaphore(%run_scoped3A_64 : memref<!tpu.dma_semaphore, #tpu.memory_space<semaphore_mem>>) src(%dma_wait3A_80 : memref<2x80xi32, #tpu.memory_space<hbm>>) dst(%arg6 : memref<2x80xi32, #tpu.memory_space<vmem>>)
        tpu.yield
      }) : () -> ()
      %dma_start3A_49 = arith.constant 0 : i32
      %dma_start3A_50 = arith.constant 0 : i32
      %dma_start3A_51 = tpu.memref_slice %arg6[%dma_start3A_49, %dma_start3A_50] : memref<2x80xi32, #tpu.memory_space<vmem>> -> memref<1x80xi32, #tpu.memory_space<vmem>>
      %dma_start3A_52 = tpu.memref_squeeze %dma_start3A_51 : memref<1x80xi32, #tpu.memory_space<vmem>> -> memref<80xi32, #tpu.memory_space<vmem>>
      %dma_start3A_53 = arith.constant 0 : i32
      %dma_start3A_54 = arith.constant 0 : i32
      %dma_start3A_55 = tpu.memref_slice %arg2[%dma_start3A_53, %dma_start3A_54] : memref<10000x128xf32, #tpu.memory_space<hbm>> -> memref<10000x128xf32, #tpu.memory_space<hbm>>
      tpu.enqueue_indirect_dma source(%dma_start3A_55 : memref<10000x128xf32, #tpu.memory_space<hbm>>) target(%arg8 : memref<80x128xf32, #tpu.memory_space<vmem>>) offsets(%dma_start3A_52 : memref<80xi32, #tpu.memory_space<vmem>>) semaphore(%arg12 : memref<!tpu.dma_semaphore, #tpu.memory_space<semaphore_mem>>)
      %dma_wait3A_56 = arith.constant 0 : i32
      %dma_wait3A_57 = arith.constant 0 : i32
      %dma_wait3A_58 = tpu.memref_slice %arg7[%dma_wait3A_56, %dma_wait3A_57] : memref<2x80xi32, #tpu.memory_space<vmem>> -> memref<1x80xi32, #tpu.memory_space<vmem>>
      %dma_wait3A_59 = tpu.memref_squeeze %dma_wait3A_58 : memref<1x80xi32, #tpu.memory_space<vmem>> -> memref<80xi32, #tpu.memory_space<vmem>>
      %dma_wait3A_60 = arith.constant 0 : i32
      %dma_wait3A_61 = arith.constant 0 : i32
      %dma_wait3A_62 = tpu.memref_slice %arg2[%dma_wait3A_60, %dma_wait3A_61] : memref<10000x128xf32, #tpu.memory_space<hbm>> -> memref<10000x128xf32, #tpu.memory_space<hbm>>
      tpu.wait_indirect_dma semaphore(%arg13 : memref<!tpu.dma_semaphore, #tpu.memory_space<semaphore_mem>>) src(%dma_wait3A_62 : memref<10000x128xf32, #tpu.memory_space<hbm>>) dst(%arg9 : memref<80x128xf32, #tpu.memory_space<vmem>>)
      %run_scoped3A_63 = arith.constant 1 : i32
      "tpu.region"() ({
        %run_scoped3A_64 = tpu.sem_alloc : memref<!tpu.dma_semaphore, #tpu.memory_space<semaphore_mem>>
        %dma_start3A_65 = arith.constant 0 : i32
        %dma_start3A_66 = tpu.memref_slice %arg7[%run_scoped3A_63, %dma_start3A_65] : memref<2x80xi32, #tpu.memory_space<vmem>> -> memref<1x80xi32, #tpu.memory_space<vmem>>
        %dma_start3A_67 = tpu.memref_squeeze %dma_start3A_66 : memref<1x80xi32, #tpu.memory_space<vmem>> -> memref<80xi32, #tpu.memory_space<vmem>>
        %dma_start3A_68 = arith.constant 0 : i32
        %dma_start3A_69 = arith.constant 0 : i32
        %dma_start3A_70 = tpu.memref_slice %arg10[%dma_start3A_68, %dma_start3A_69] : memref<10240x128xf32, #tpu.memory_space<vmem_shared>> -> memref<10240x128xf32, #tpu.memory_space<vmem_shared>>
        tpu.enqueue_indirect_dma source(%arg9 : memref<80x128xf32, #tpu.memory_space<vmem>>) target(%dma_start3A_70 : memref<10240x128xf32, #tpu.memory_space<vmem_shared>>) offsets(%dma_start3A_67 : memref<80xi32, #tpu.memory_space<vmem>>) semaphore(%run_scoped3A_64 : memref<!tpu.dma_semaphore, #tpu.memory_space<semaphore_mem>>) {add = true}
        %dma_wait3A_71 = arith.constant 0 : i32
        %dma_wait3A_72 = tpu.memref_slice %arg7[%run_scoped3A_63, %dma_wait3A_71] : memref<2x80xi32, #tpu.memory_space<vmem>> -> memref<1x80xi32, #tpu.memory_space<vmem>>
        %dma_wait3A_73 = tpu.memref_squeeze %dma_wait3A_72 : memref<1x80xi32, #tpu.memory_space<vmem>> -> memref<80xi32, #tpu.memory_space<vmem>>
        %dma_wait3A_74 = arith.constant 0 : i32
        %dma_wait3A_75 = arith.constant 0 : i32
        %dma_wait3A_76 = tpu.memref_slice %arg10[%dma_wait3A_74, %dma_wait3A_75] : memref<10240x128xf32, #tpu.memory_space<vmem_shared>> -> memref<10240x128xf32, #tpu.memory_space<vmem_shared>>
        tpu.wait_indirect_dma semaphore(%run_scoped3A_64 : memref<!tpu.dma_semaphore, #tpu.memory_space<semaphore_mem>>) src(%arg9 : memref<80x128xf32, #tpu.memory_space<vmem>>) dst(%dma_wait3A_76 : memref<10240x128xf32, #tpu.memory_space<vmem_shared>>)
        tpu.yield
      }) : () -> ()
    }
    %scan3A_17 = arith.constant 62 : i32
    %dma_wait3A_18 = arith.constant 0 : i32
    %dma_wait3A_19 = arith.constant 0 : i32
    %dma_wait3A_20 = tpu.memref_slice %arg6[%dma_wait3A_18, %dma_wait3A_19] : memref<2x80xi32, #tpu.memory_space<vmem>> -> memref<1x80xi32, #tpu.memory_space<vmem>>
    %dma_wait3A_21 = tpu.memref_squeeze %dma_wait3A_20 : memref<1x80xi32, #tpu.memory_space<vmem>> -> memref<80xi32, #tpu.memory_space<vmem>>
    %dma_wait3A_22 = arith.constant 0 : i32
    %dma_wait3A_23 = arith.constant 0 : i32
    %dma_wait3A_24 = tpu.memref_slice %arg2[%dma_wait3A_22, %dma_wait3A_23] : memref<10000x128xf32, #tpu.memory_space<hbm>> -> memref<10000x128xf32, #tpu.memory_space<hbm>>
    tpu.wait_indirect_dma semaphore(%arg12 : memref<!tpu.dma_semaphore, #tpu.memory_space<semaphore_mem>>) src(%dma_wait3A_24 : memref<10000x128xf32, #tpu.memory_space<hbm>>) dst(%arg8 : memref<80x128xf32, #tpu.memory_space<vmem>>)
    %run_scoped3A = arith.constant 1 : i32
    "tpu.region"() ({
      %run_scoped3A_26 = tpu.sem_alloc : memref<!tpu.dma_semaphore, #tpu.memory_space<semaphore_mem>>
      %dma_start3A_27 = arith.constant 0 : i32
      %dma_start3A_28 = tpu.memref_slice %arg6[%run_scoped3A, %dma_start3A_27] : memref<2x80xi32, #tpu.memory_space<vmem>> -> memref<1x80xi32, #tpu.memory_space<vmem>>
      %dma_start3A_29 = tpu.memref_squeeze %dma_start3A_28 : memref<1x80xi32, #tpu.memory_space<vmem>> -> memref<80xi32, #tpu.memory_space<vmem>>
      %dma_start3A_30 = arith.constant 0 : i32
      %dma_start3A_31 = arith.constant 0 : i32
      %dma_start3A_32 = tpu.memref_slice %arg10[%dma_start3A_30, %dma_start3A_31] : memref<10240x128xf32, #tpu.memory_space<vmem_shared>> -> memref<10240x128xf32, #tpu.memory_space<vmem_shared>>
      tpu.enqueue_indirect_dma source(%arg8 : memref<80x128xf32, #tpu.memory_space<vmem>>) target(%dma_start3A_32 : memref<10240x128xf32, #tpu.memory_space<vmem_shared>>) offsets(%dma_start3A_29 : memref<80xi32, #tpu.memory_space<vmem>>) semaphore(%run_scoped3A_26 : memref<!tpu.dma_semaphore, #tpu.memory_space<semaphore_mem>>) {add = true}
      %dma_wait3A_33 = arith.constant 0 : i32
      %dma_wait3A_34 = tpu.memref_slice %arg6[%run_scoped3A, %dma_wait3A_33] : memref<2x80xi32, #tpu.memory_space<vmem>> -> memref<1x80xi32, #tpu.memory_space<vmem>>
      %dma_wait3A_35 = tpu.memref_squeeze %dma_wait3A_34 : memref<1x80xi32, #tpu.memory_space<vmem>> -> memref<80xi32, #tpu.memory_space<vmem>>
      %dma_wait3A_36 = arith.constant 0 : i32
      %dma_wait3A_37 = arith.constant 0 : i32
      %dma_wait3A_38 = tpu.memref_slice %arg10[%dma_wait3A_36, %dma_wait3A_37] : memref<10240x128xf32, #tpu.memory_space<vmem_shared>> -> memref<10240x128xf32, #tpu.memory_space<vmem_shared>>
      tpu.wait_indirect_dma semaphore(%run_scoped3A_26 : memref<!tpu.dma_semaphore, #tpu.memory_space<semaphore_mem>>) src(%arg8 : memref<80x128xf32, #tpu.memory_space<vmem>>) dst(%dma_wait3A_38 : memref<10240x128xf32, #tpu.memory_space<vmem_shared>>)
      tpu.yield
    }) : () -> ()
    %barrier3A_25 = arith.constant 0 : index
    tpu.barrier barrier_id(%barrier3A_25)
    "tpu.region"() ({
      %run_scoped3A_26 = tpu.sem_alloc : memref<!tpu.dma_semaphore, #tpu.memory_space<semaphore_mem>>
      %dma_start3A_27 = arith.constant 0 : i32
      %dma_start3A_28 = tpu.memref_slice %arg5[%arg0, %mul3A_4, %dma_start3A_27] : memref<2x10240x128xf32, #tpu.memory_space<hbm>> -> memref<1x640x128xf32, #tpu.memory_space<hbm>>
      %dma_start3A_29 = tpu.memref_squeeze %dma_start3A_28 : memref<1x640x128xf32, #tpu.memory_space<hbm>> -> memref<640x128xf32, #tpu.memory_space<hbm>>
      %dma_start3A_30 = arith.constant 0 : i32
      %dma_start3A_31 = tpu.memref_slice %arg10[%mul3A_4, %dma_start3A_30] : memref<10240x128xf32, #tpu.memory_space<vmem_shared>> -> memref<640x128xf32, #tpu.memory_space<vmem_shared>>
      tpu.enqueue_dma source(%dma_start3A_31 : memref<640x128xf32, #tpu.memory_space<vmem_shared>>) target(%dma_start3A_29 : memref<640x128xf32, #tpu.memory_space<hbm>>) target_semaphore(%run_scoped3A_26 : memref<!tpu.dma_semaphore, #tpu.memory_space<semaphore_mem>>)
      %dma_wait3A_32 = arith.constant 0 : i32
      %dma_wait3A_33 = tpu.memref_slice %arg5[%arg0, %mul3A_4, %dma_wait3A_32] : memref<2x10240x128xf32, #tpu.memory_space<hbm>> -> memref<1x640x128xf32, #tpu.memory_space<hbm>>
      %dma_wait3A_34 = tpu.memref_squeeze %dma_wait3A_33 : memref<1x640x128xf32, #tpu.memory_space<hbm>> -> memref<640x128xf32, #tpu.memory_space<hbm>>
      %dma_wait3A_35 = arith.constant 0 : i32
      %dma_wait3A_36 = tpu.memref_slice %arg10[%mul3A_4, %dma_wait3A_35] : memref<10240x128xf32, #tpu.memory_space<vmem_shared>> -> memref<640x128xf32, #tpu.memory_space<vmem_shared>>
      tpu.wait_dma2 semaphore(%run_scoped3A_26 : memref<!tpu.dma_semaphore, #tpu.memory_space<semaphore_mem>>) src(%dma_wait3A_36 : memref<640x128xf32, #tpu.memory_space<vmem_shared>>) dst(%dma_wait3A_34 : memref<640x128xf32, #tpu.memory_space<hbm>>)
      tpu.yield
    }) : () -> ()
    return
  }
}

module attributes {stable_mosaic.version = 14 : i64} {
  func.func @body(%arg0: i32, %arg1: memref<1024x128xf32, #tpu.memory_space<vmem>>, %arg2: memref<1024x144xf32, #tpu.memory_space<vmem>>) attributes {dimension_semantics = [#tpu.dimension_semantics<arbitrary>], iteration_bounds = array<i64: 10>, scalar_prefetch = 0 : i64, scratch_operands = 0 : i64, tpu.core_type = #tpu.core_type<tc>, window_params = [{transform_indices = @transform_0, window_bounds = array<i64: 1024, 128>}, {transform_indices = @transform_1, window_bounds = array<i64: 1024, 144>}]} {
    %iota3A = tpu.iota {dimensions = array<i32: 1>} : vector<1024x16xi32>
    %eq3A = arith.constant 0 : i32
    %eq3A_0 = vector.broadcast %eq3A : i32 to vector<1024x16xi32>
    %eq3A_1 = arith.cmpi eq, %iota3A, %eq3A_0 : vector<1024x16xi32>
    %jit3A = arith.constant 1.000000e+00 : f32
    %jit3A_2 = arith.constant 0.000000e+00 : f32
    %broadcast_in_dim3A = vector.broadcast %jit3A : f32 to vector<1024x16xf32>
    %broadcast_in_dim3A_3 = vector.broadcast %jit3A_2 : f32 to vector<1024x16xf32>
    %select_n3A = arith.select %eq3A_1, %broadcast_in_dim3A, %broadcast_in_dim3A_3 : vector<1024x16xi1>, vector<1024x16xf32>
    %get3A = arith.constant 0 : index
    %get3A_4 = arith.constant 0 : index
    %get3A_5 = vector.load %arg1[%get3A, %get3A_4] : memref<1024x128xf32, #tpu.memory_space<vmem>>, vector<1024x128xf32>
    %concatenate3A = tpu.concatenate %get3A_5, %select_n3A in 1 : vector<1024x128xf32>, vector<1024x16xf32> -> vector<1024x144xf32>
    %swap3A = arith.constant 0 : index
    %swap3A_6 = arith.constant 0 : index
    %swap3A_7 = vector.load %arg2[%swap3A, %swap3A_6] : memref<1024x144xf32, #tpu.memory_space<vmem>>, vector<1024x144xf32>
    tpu.vector_store %arg2[%swap3A, %swap3A_6], %concatenate3A {strides = array<i32>} : memref<1024x144xf32, #tpu.memory_space<vmem>>, vector<1024x144xf32>,
    return
  }
  func.func @transform_0(%arg0: i32) -> (i32, i32) {
    %c0_i32 = arith.constant 0 : i32
    %c0_i32_0 = arith.constant 0 : i32
    return %arg0, %c0_i32 : i32, i32
  }
  func.func @transform_1(%arg0: i32) -> (i32, i32) {
    %c0_i32 = arith.constant 0 : i32
    %c0_i32_0 = arith.constant 0 : i32
    return %arg0, %c0_i32 : i32, i32
  }
}

module attributes {stable_mosaic.version = 14 : i64} {
  func.func @body(%arg0: i32, %arg1: memref<1024x128xf32, #tpu.memory_space<vmem>>, %arg2: memref<2x1024x128xf32, #tpu.memory_space<vmem>>, %arg3: memref<2x1024x16xf32, #tpu.memory_space<vmem>>, %arg4: memref<128x128xf32, #tpu.memory_space<vmem>>, %arg5: memref<128x128xf32, #tpu.memory_space<vmem>>, %arg6: memref<1024x128xf32, #tpu.memory_space<vmem>>) attributes {dimension_semantics = [#tpu.dimension_semantics<arbitrary>], iteration_bounds = array<i64: 10>, scalar_prefetch = 0 : i64, scratch_operands = 0 : i64, tpu.core_type = #tpu.core_type<tc>, window_params = [{transform_indices = @transform_0, window_bounds = array<i64: 1024, 128>}, {transform_indices = @transform_1, window_bounds = array<i64: 2, 1024, 128>}, {transform_indices = @transform_2, window_bounds = array<i64: 2, 1024, 16>}, {pipeline_mode = #tpu.pipeline_mode<synchronous>, transform_indices = @transform_3, window_bounds = array<i64: 128, 128>}, {pipeline_mode = #tpu.pipeline_mode<synchronous>, transform_indices = @transform_4, window_bounds = array<i64: 128, 128>}, {transform_indices = @transform_5, window_bounds = array<i64: 1024, 128>}]} {
    %get3A = arith.constant 0 : index
    %get3A_0 = arith.constant 0 : index
    %get3A_1 = arith.constant 0 : index
    %get3A_2 = vector.load %arg3[%get3A, %get3A_0, %get3A_1] : memref<2x1024x16xf32, #tpu.memory_space<vmem>>, vector<1x1024x1xf32>
    %get3A_3 = vector.shape_cast %get3A_2 : vector<1x1024x1xf32> to vector<1024x1xf32>
    %get3A_4 = arith.constant 1 : index
    %get3A_5 = arith.constant 0 : index
    %get3A_6 = arith.constant 0 : index
    %get3A_7 = vector.load %arg3[%get3A_4, %get3A_5, %get3A_6] : memref<2x1024x16xf32, #tpu.memory_space<vmem>>, vector<1x1024x1xf32>
    %get3A_8 = vector.shape_cast %get3A_7 : vector<1x1024x1xf32> to vector<1024x1xf32>
    %add3A = arith.addf %get3A_3, %get3A_8 : vector<1024x1xf32>
    %max3A = arith.constant 1.000000e+00 : f32
    %max3A_9 = vector.broadcast %max3A : f32 to vector<1024x1xf32>
    %max3A_10 = arith.maximumf %add3A, %max3A_9 : vector<1024x1xf32>
    %get3A_11 = arith.constant 0 : index
    %get3A_12 = arith.constant 0 : index
    %get3A_13 = arith.constant 0 : index
    %get3A_14 = vector.load %arg2[%get3A_11, %get3A_12, %get3A_13] : memref<2x1024x128xf32, #tpu.memory_space<vmem>>, vector<1x1024x128xf32>
    %get3A_15 = vector.shape_cast %get3A_14 : vector<1x1024x128xf32> to vector<1024x128xf32>
    %get3A_16 = arith.constant 1 : index
    %get3A_17 = arith.constant 0 : index
    %get3A_18 = arith.constant 0 : index
    %get3A_19 = vector.load %arg2[%get3A_16, %get3A_17, %get3A_18] : memref<2x1024x128xf32, #tpu.memory_space<vmem>>, vector<1x1024x128xf32>
    %get3A_20 = vector.shape_cast %get3A_19 : vector<1x1024x128xf32> to vector<1024x128xf32>
    %add3A_21 = arith.addf %get3A_15, %get3A_20 : vector<1024x128xf32>
    %div3A = vector.broadcast %max3A_10 : vector<1024x1xf32> to vector<1024x128xf32>
    %div3A_22 = arith.divf %add3A_21, %div3A : vector<1024x128xf32>
    %get3A_23 = arith.constant 0 : index
    %get3A_24 = arith.constant 0 : index
    %get3A_25 = vector.load %arg1[%get3A_23, %get3A_24] : memref<1024x128xf32, #tpu.memory_space<vmem>>, vector<1024x128xf32>
    %get3A_26 = arith.constant 0 : index
    %get3A_27 = arith.constant 0 : index
    %get3A_28 = vector.load %arg4[%get3A_26, %get3A_27] : memref<128x128xf32, #tpu.memory_space<vmem>>, vector<128x128xf32>
    %dot_general3A = arith.constant dense<0.000000e+00> : vector<1024x128xf32>
    %dot_general3A_29 = tpu.matmul %get3A_25, %get3A_28, %dot_general3A {dimension_numbers = #tpu.dot_dimension_numbers<[1], [1], [0], [0], [0, 0, 1, 0], [], []>, transpose_lhs_hint = false} : vector<1024x128xf32>, vector<128x128xf32>, vector<1024x128xf32> -> vector<1024x128xf32>
    %get3A_30 = arith.constant 0 : index
    %get3A_31 = arith.constant 0 : index
    %get3A_32 = vector.load %arg5[%get3A_30, %get3A_31] : memref<128x128xf32, #tpu.memory_space<vmem>>, vector<128x128xf32>
    %dot_general3A_33 = arith.constant dense<0.000000e+00> : vector<1024x128xf32>
    %dot_general3A_34 = tpu.matmul %div3A_22, %get3A_32, %dot_general3A_33 {dimension_numbers = #tpu.dot_dimension_numbers<[1], [1], [0], [0], [0, 0, 1, 0], [], []>, transpose_lhs_hint = false} : vector<1024x128xf32>, vector<128x128xf32>, vector<1024x128xf32> -> vector<1024x128xf32>
    %add3A_35 = arith.addf %dot_general3A_29, %dot_general3A_34 : vector<1024x128xf32>
    %max3A_36 = arith.constant 0.000000e+00 : f32
    %max3A_37 = vector.broadcast %max3A_36 : f32 to vector<1024x128xf32>
    %max3A_38 = arith.maximumf %add3A_35, %max3A_37 : vector<1024x128xf32>
    %swap3A = arith.constant 0 : index
    %swap3A_39 = arith.constant 0 : index
    %swap3A_40 = vector.load %arg6[%swap3A, %swap3A_39] : memref<1024x128xf32, #tpu.memory_space<vmem>>, vector<1024x128xf32>
    tpu.vector_store %arg6[%swap3A, %swap3A_39], %max3A_38 {strides = array<i32>} : memref<1024x128xf32, #tpu.memory_space<vmem>>, vector<1024x128xf32>,
    return
  }
  func.func @transform_0(%arg0: i32) -> (i32, i32) {
    %c0_i32 = arith.constant 0 : i32
    %c0_i32_0 = arith.constant 0 : i32
    return %arg0, %c0_i32 : i32, i32
  }
  func.func @transform_1(%arg0: i32) -> (i32, i32, i32) {
    %c0_i32 = arith.constant 0 : i32
    %c0_i32_0 = arith.constant 0 : i32
    %c0_i32_1 = arith.constant 0 : i32
    return %c0_i32, %arg0, %c0_i32_0 : i32, i32, i32
  }
  func.func @transform_2(%arg0: i32) -> (i32, i32, i32) {
    %c0_i32 = arith.constant 0 : i32
    %c0_i32_0 = arith.constant 0 : i32
    %c0_i32_1 = arith.constant 0 : i32
    return %c0_i32, %arg0, %c0_i32_0 : i32, i32, i32
  }
  func.func @transform_3(%arg0: i32) -> (i32, i32) {
    %c0_i32 = arith.constant 0 : i32
    %c0_i32_0 = arith.constant 0 : i32
    %c0_i32_1 = arith.constant 0 : i32
    return %c0_i32, %c0_i32_0 : i32, i32
  }
  func.func @transform_4(%arg0: i32) -> (i32, i32) {
    %c0_i32 = arith.constant 0 : i32
    %c0_i32_0 = arith.constant 0 : i32
    %c0_i32_1 = arith.constant 0 : i32
    return %c0_i32, %c0_i32_0 : i32, i32
  }
  func.func @transform_5(%arg0: i32) -> (i32, i32) {
    %c0_i32 = arith.constant 0 : i32
    %c0_i32_0 = arith.constant 0 : i32
    return %arg0, %c0_i32 : i32, i32
  }
}

module attributes {stable_mosaic.version = 14 : i64} {
  func.func @body(%arg0: i32, %arg1: memref<1024x128xf32, #tpu.memory_space<vmem>>, %arg2: memref<2x1024x128xf32, #tpu.memory_space<vmem>>, %arg3: memref<2x1024x16xf32, #tpu.memory_space<vmem>>, %arg4: memref<128x128xf32, #tpu.memory_space<vmem>>, %arg5: memref<128x128xf32, #tpu.memory_space<vmem>>, %arg6: memref<1024x128xf32, #tpu.memory_space<vmem>>) attributes {dimension_semantics = [#tpu.dimension_semantics<arbitrary>], iteration_bounds = array<i64: 10>, scalar_prefetch = 0 : i64, scratch_operands = 0 : i64, tpu.core_type = #tpu.core_type<tc>, window_params = [{transform_indices = @transform_0, window_bounds = array<i64: 1024, 128>}, {transform_indices = @transform_1, window_bounds = array<i64: 2, 1024, 128>}, {transform_indices = @transform_2, window_bounds = array<i64: 2, 1024, 16>}, {pipeline_mode = #tpu.pipeline_mode<synchronous>, transform_indices = @transform_3, window_bounds = array<i64: 128, 128>}, {pipeline_mode = #tpu.pipeline_mode<synchronous>, transform_indices = @transform_4, window_bounds = array<i64: 128, 128>}, {transform_indices = @transform_5, window_bounds = array<i64: 1024, 128>}]} {
    %get3A = arith.constant 0 : index
    %get3A_0 = arith.constant 0 : index
    %get3A_1 = arith.constant 0 : index
    %get3A_2 = vector.load %arg3[%get3A, %get3A_0, %get3A_1] : memref<2x1024x16xf32, #tpu.memory_space<vmem>>, vector<1x1024x1xf32>
    %get3A_3 = vector.shape_cast %get3A_2 : vector<1x1024x1xf32> to vector<1024x1xf32>
    %get3A_4 = arith.constant 1 : index
    %get3A_5 = arith.constant 0 : index
    %get3A_6 = arith.constant 0 : index
    %get3A_7 = vector.load %arg3[%get3A_4, %get3A_5, %get3A_6] : memref<2x1024x16xf32, #tpu.memory_space<vmem>>, vector<1x1024x1xf32>
    %get3A_8 = vector.shape_cast %get3A_7 : vector<1x1024x1xf32> to vector<1024x1xf32>
    %add3A = arith.addf %get3A_3, %get3A_8 : vector<1024x1xf32>
    %max3A = arith.constant 1.000000e+00 : f32
    %max3A_9 = vector.broadcast %max3A : f32 to vector<1024x1xf32>
    %max3A_10 = arith.maximumf %add3A, %max3A_9 : vector<1024x1xf32>
    %get3A_11 = arith.constant 0 : index
    %get3A_12 = arith.constant 0 : index
    %get3A_13 = arith.constant 0 : index
    %get3A_14 = vector.load %arg2[%get3A_11, %get3A_12, %get3A_13] : memref<2x1024x128xf32, #tpu.memory_space<vmem>>, vector<1x1024x128xf32>
    %get3A_15 = vector.shape_cast %get3A_14 : vector<1x1024x128xf32> to vector<1024x128xf32>
    %get3A_16 = arith.constant 1 : index
    %get3A_17 = arith.constant 0 : index
    %get3A_18 = arith.constant 0 : index
    %get3A_19 = vector.load %arg2[%get3A_16, %get3A_17, %get3A_18] : memref<2x1024x128xf32, #tpu.memory_space<vmem>>, vector<1x1024x128xf32>
    %get3A_20 = vector.shape_cast %get3A_19 : vector<1x1024x128xf32> to vector<1024x128xf32>
    %add3A_21 = arith.addf %get3A_15, %get3A_20 : vector<1024x128xf32>
    %div3A = vector.broadcast %max3A_10 : vector<1024x1xf32> to vector<1024x128xf32>
    %div3A_22 = arith.divf %add3A_21, %div3A : vector<1024x128xf32>
    %get3A_23 = arith.constant 0 : index
    %get3A_24 = arith.constant 0 : index
    %get3A_25 = vector.load %arg1[%get3A_23, %get3A_24] : memref<1024x128xf32, #tpu.memory_space<vmem>>, vector<1024x128xf32>
    %get3A_26 = arith.constant 0 : index
    %get3A_27 = arith.constant 0 : index
    %get3A_28 = vector.load %arg4[%get3A_26, %get3A_27] : memref<128x128xf32, #tpu.memory_space<vmem>>, vector<128x128xf32>
    %dot_general3A = arith.constant dense<0.000000e+00> : vector<1024x128xf32>
    %dot_general3A_29 = tpu.matmul %get3A_25, %get3A_28, %dot_general3A {dimension_numbers = #tpu.dot_dimension_numbers<[1], [1], [0], [0], [0, 0, 1, 0], [], []>, transpose_lhs_hint = false} : vector<1024x128xf32>, vector<128x128xf32>, vector<1024x128xf32> -> vector<1024x128xf32>
    %get3A_30 = arith.constant 0 : index
    %get3A_31 = arith.constant 0 : index
    %get3A_32 = vector.load %arg5[%get3A_30, %get3A_31] : memref<128x128xf32, #tpu.memory_space<vmem>>, vector<128x128xf32>
    %dot_general3A_33 = arith.constant dense<0.000000e+00> : vector<1024x128xf32>
    %dot_general3A_34 = tpu.matmul %div3A_22, %get3A_32, %dot_general3A_33 {dimension_numbers = #tpu.dot_dimension_numbers<[1], [1], [0], [0], [0, 0, 1, 0], [], []>, transpose_lhs_hint = false} : vector<1024x128xf32>, vector<128x128xf32>, vector<1024x128xf32> -> vector<1024x128xf32>
    %add3A_35 = arith.addf %dot_general3A_29, %dot_general3A_34 : vector<1024x128xf32>
    %max3A_36 = arith.constant 0.000000e+00 : f32
    %max3A_37 = vector.broadcast %max3A_36 : f32 to vector<1024x128xf32>
    %max3A_38 = arith.maximumf %add3A_35, %max3A_37 : vector<1024x128xf32>
    %swap3A = arith.constant 0 : index
    %swap3A_39 = arith.constant 0 : index
    %swap3A_40 = vector.load %arg6[%swap3A, %swap3A_39] : memref<1024x128xf32, #tpu.memory_space<vmem>>, vector<1024x128xf32>
    tpu.vector_store %arg6[%swap3A, %swap3A_39], %max3A_38 {strides = array<i32>} : memref<1024x128xf32, #tpu.memory_space<vmem>>, vector<1024x128xf32>,
    return
  }
  func.func @transform_0(%arg0: i32) -> (i32, i32) {
    %c0_i32 = arith.constant 0 : i32
    %c0_i32_0 = arith.constant 0 : i32
    return %arg0, %c0_i32 : i32, i32
  }
  func.func @transform_1(%arg0: i32) -> (i32, i32, i32) {
    %c0_i32 = arith.constant 0 : i32
    %c0_i32_0 = arith.constant 0 : i32
    %c0_i32_1 = arith.constant 0 : i32
    return %c0_i32, %arg0, %c0_i32_0 : i32, i32, i32
  }
  func.func @transform_2(%arg0: i32) -> (i32, i32, i32) {
    %c0_i32 = arith.constant 0 : i32
    %c0_i32_0 = arith.constant 0 : i32
    %c0_i32_1 = arith.constant 0 : i32
    return %c0_i32, %arg0, %c0_i32_0 : i32, i32, i32
  }
  func.func @transform_3(%arg0: i32) -> (i32, i32) {
    %c0_i32 = arith.constant 0 : i32
    %c0_i32_0 = arith.constant 0 : i32
    %c0_i32_1 = arith.constant 0 : i32
    return %c0_i32, %c0_i32_0 : i32, i32
  }
  func.func @transform_4(%arg0: i32) -> (i32, i32) {
    %c0_i32 = arith.constant 0 : i32
    %c0_i32_0 = arith.constant 0 : i32
    %c0_i32_1 = arith.constant 0 : i32
    return %c0_i32, %c0_i32_0 : i32, i32
  }
  func.func @transform_5(%arg0: i32) -> (i32, i32) {
    %c0_i32 = arith.constant 0 : i32
    %c0_i32_0 = arith.constant 0 : i32
    return %arg0, %c0_i32 : i32, i32
  }
}

</mosaic_0001>

<sc_bundles>
// kernel: kernel.10.cloned.1.call-start
scs
__scs_entry_jumppad:
0x0: {  	(pc) =	sbr.rel $0x88, $3  }
0x1: {  	(tag) =	ssettag $0x0;
	lr =	simm.s32 $0x1  }
0x2: {  	[smem:$0x3F9E] =	sst lr;
	_ =	strace $0xD0000000  }
0x3: {  	_ = 	snop  }
0x4: {  	_ = 	snop  }
0x5: {  	_ = 	snop  }
0x6: {  	_ = 	snop  }
0x7: {  	_ = 	snop  }
__scs_overlays_trampoline_lowered:
0x8: {  	[smem:$0x3FAD] =	sst s0  }
0x9: {  	[smem:$0x3FAE] =	sst s1  }
0xa: {  	[smem:$0x3FAF] =	sst s2  }
0xb: {  	[smem:$0x3FB0] =	sst s3  }
0xc: {  	[smem:$0x3FB1] =	sst s4  }
0xd: {  	[smem:$0x3FB2] =	sst s5  }
0xe: {  	[smem:$0x3FB3] =	sst s6  }
0xf: {  	[smem:$0x3FB4] =	sst s7  }
0x10: {  	[smem:$0x3FB5] =	sst s8  }
0x11: {  	[smem:$0x3FB6] =	sst s9;
	s0 =	simm.s32 @!p0 $0x0  }
0x12: {  	s1 =	sld [smem:$0x3F9C];
	s0 =	simm.s32 @p0 $0x1  }
0x13: {  	[smem:$0x3FB7] =	sst s0;
	s0 =	simm.s32 @!p1 $0x0  }
0x14: {  	s2 =	sld [smem:$0x3F9B];
	s0 =	simm.s32 @p1 $0x1  }
0x15: {  	[smem:$0x3FB8] =	sst s0;
	s0 =	simm.s32 @!p2 $0x0  }
0x16: {  	s3 =	sld [smem:$0x3FDB];
	s0 =	simm.s32 @p2 $0x1  }
0x17: {  	s4 =	simm.s32 $0x1BF5;
	[smem:$0x3FBA] =	sst s0  }
0x18: {  	s0 =	sld [smem:$0x3F9D];
	_ =	swait.ge [sflag:s4], $0x0  }
0x19: {  	s7 =	sld [smem:$0x3F9E]  }
0x1a: {  	s8 =	sadd.s32 $0xFFFFE003, lr  }
0x1b: {  	s9 =	sadd.s32 $0xFFFFFEF7, lr;
	s5 =	simm.s32 $0xFFFFFFFF;
	p2 =	slt.u32 s8, $0xFFFFF086  }
0x1c: {  	p1 =	slt.u32 s9, $0xF7A;
	s5 =	simm.s32 @!p2 $0x0  }
0x1d: {  	s5 =	simm.s32 @p1 $0x1;
	p0 =	seq.s32 s7, s2  }
0x1e: {  	s7 =	smul.u32 @!p0 $0xF7A, s2;
	p2 =	seq.s32 @!p0 s5, $0x0  }
0x1f: {  	s9 =	smul.u32 $0xF7A, s1;
	s8 =	simm.s32 @!p0 $0x1BF5;
	p2 =	por !p2, p0  }
0x20: {  	[sflag:s8] =	ssyncset.s32 @!p0 $0xFFFFF086;
	s6 =	sadd.s32 @!p0 s3, s7;
	s7 =	simm.s32 @!p0 $0x108  }
0x21: {  	s3 =	sadd.s32 s3, s9;
	s6 =	sadd.s32 @!p0 $0x88, s6;
	s7 =	simm.s32 @p2 $0x1082  }
0x22: {  	[simem:s7], [sflag:s8] =	dma.local @!p0 [hbm:s6], $0xF7A  }
0x23: {  	s9 =	sor.u32 $0xD0000000, s2;
	s6 =	simm.s32 $0x108;
	_ =	swait.ge @!p0 [sflag:s8], $0x0  }
0x24: {  	s3 =	sadd.s32 $0x88, s3;
	s6 =	simm.s32 @!p1 $0x1082;
	[sflag:s4] =	ssyncset.s32 $0xFFFFF086  }
0x25: {  	[simem:s6], [sflag:s4] =	dma.local [hbm:s3], $0xF7A  }
0x26: {  	[smem:$0x3F9E] =	sst s1;
	(tag) =	ssettag s2;
	_ =	strace s9  }
0x27: {  	s1 =	sld [smem:$0x3FAE]  }
0x28: {  	s2 =	sld [smem:$0x3FAF]  }
0x29: {  	s4 =	sld [smem:$0x3FB1]  }
0x2a: {  	p0 =	seq.s32 s5, $0x0;
	s5 =	sld [smem:$0x3FB2]  }
0x2b: {  	s6 =	sld [smem:$0x3FB3]  }
0x2c: {  	s7 =	sld [smem:$0x3FB4]  }
0x2d: {  	s3 =	simm.s32 $0x108;
	s8 =	sld [smem:$0x3FB5]  }
0x2e: {  	s3 =	simm.s32 @!p0 $0x1082;
	s9 =	sld [smem:$0x3FB6]  }
0x2f: {  	lr =	sadd.s32 s0, s3;
	s0 =	sld [smem:$0x3FAD]  }
0x30: {  	s3 =	sld [smem:$0x3FB0]  }
0x31: {  	[smem:$0x3FB9] =	sst s10  }
0x32: {  	s10 =	sld [smem:$0x3FB7];
	_ =	sdelay $0x3  }
0x33: {  	p0 =	seq.s32 s10, $0x1;
	s10 =	sld [smem:$0x3FB9];
	_ =	sdelay $0x3  }
0x34: {  	[smem:$0x3FB9] =	sst s10  }
0x35: {  	s10 =	sld [smem:$0x3FB8];
	_ =	sdelay $0x3  }
0x36: {  	p1 =	seq.s32 s10, $0x1;
	s10 =	sld [smem:$0x3FB9];
	_ =	sdelay $0x3  }
0x37: {  	[smem:$0x3FB9] =	sst s10  }
0x38: {  	s10 =	sld [smem:$0x3FBA]  }
0x39: {  	_ = 	snop;
	(pc) =	sbr.ind lr, $3  }
0x3a: {  	_ = 	snop  }
0x3b: {  	_ = 	snop  }
0x3c: {  	p2 =	seq.s32 s10, $0x1;
	s10 =	sld [smem:$0x3FB9]  }
0x3d: {  	_ =	shalt  }
0x3e: {  	_ =	shalt  }
0x3f: {  	_ =	shalt  }
0x40: {  	_ =	shalt  }
0x41: {  	_ =	shalt  }
0x42: {  	_ =	shalt  }
0x43: {  	_ =	shalt  }
0x44: {  	_ =	shalt  }
0x45: {  	_ =	shalt  }
0x46: {  	_ =	shalt  }
0x47: {  	_ =	shalt  }
0x48: {  	_ =	shalt  }
0x49: {  	_ =	shalt  }
0x4a: {  	_ =	shalt  }
0x4b: {  	_ =	shalt  }
0x4c: {  	_ =	shalt  }
0x4d: {  	_ =	shalt  }
0x4e: {  	_ =	shalt  }
0x4f: {  	_ =	shalt  }
0x50: {  	_ =	shalt  }
0x51: {  	_ =	shalt  }
0x52: {  	_ =	shalt  }
0x53: {  	_ =	shalt  }
0x54: {  	_ =	shalt  }
0x55: {  	_ =	shalt  }
0x56: {  	_ =	shalt  }
0x57: {  	_ =	shalt  }
0x58: {  	_ =	shalt  }
0x59: {  	_ =	shalt  }
0x5a: {  	_ =	shalt  }
0x5b: {  	_ =	shalt  }
0x5c: {  	_ =	shalt  }
0x5d: {  	_ =	shalt  }
0x5e: {  	_ =	shalt  }
0x5f: {  	_ =	shalt  }
0x60: {  	_ =	shalt  }
0x61: {  	_ =	shalt  }
0x62: {  	_ =	shalt  }
0x63: {  	_ =	shalt  }
0x64: {  	_ =	shalt  }
0x65: {  	_ =	shalt  }
0x66: {  	_ =	shalt  }
0x67: {  	_ =	shalt  }
0x68: {  	_ =	shalt  }
0x69: {  	_ =	shalt  }
0x6a: {  	_ =	shalt  }
0x6b: {  	_ =	shalt  }
0x6c: {  	_ =	shalt  }
0x6d: {  	_ =	shalt  }
0x6e: {  	_ =	shalt  }
0x6f: {  	_ =	shalt  }
0x70: {  	_ =	shalt  }
0x71: {  	_ =	shalt  }
0x72: {  	_ =	shalt  }
0x73: {  	_ =	shalt  }
0x74: {  	_ =	shalt  }
0x75: {  	_ =	shalt  }
0x76: {  	_ =	shalt  }
0x77: {  	_ =	shalt  }
0x78: {  	_ =	shalt  }
0x79: {  	_ =	shalt  }
0x7a: {  	_ =	shalt  }
0x7b: {  	_ =	shalt  }
0x7c: {  	_ =	shalt  }
0x7d: {  	_ =	shalt  }
0x7e: {  	_ =	shalt  }
0x7f: {  	_ =	shalt  }
0x80: {  	_ =	shalt  }
0x81: {  	_ =	shalt  }
0x82: {  	_ =	shalt  }
0x83: {  	_ =	shalt  }
0x84: {  	_ =	shalt  }
0x85: {  	_ =	shalt  }
0x86: {  	_ =	shalt  }
0x87: {  	_ =	shalt  }
.Lfunc_end0:
.L_simem_size_0:
called_computation.1_lowered:
.L_overlay_start_0:
0x88: {  	s2 =	sld [smem:$0x3FD9]  }
0x89: {  	s3 =	sld [smem:$0x3FFE];
	_ =	sdelay $0x1  }
0x8a: {  	s1 =	srdreg.scid  }
0x8b: {  	s0 =	sand.u32 $0x1, s1  }
0x8c: {  	s17 =	sshll.u32 s0, $0xA;
	s2 =	sadd.s32 s3, s2  }
0x8d: {  	s2 =	sadd.s32 s2, s17  }
0x8e: {  	[smem:$0x3FC5] =	sst s2  }
0x8f: {  	_ = 	snop  }
0x90: {  	s2 =	sld [smem:$0x3FD0];
	(tm) =	ssettm $0x1  }
0x91: {  	s18 =	sld [smem:$0x3FFB];
	_ =	sdelay $0x3  }
0x92: {  	_ =	strace s18  }
0x93: {  	s3 =	sld [smem:$0x3FFC];
	_ =	sdelay $0x3  }
0x94: {  	_ =	strace s3  }
0x95: {  	s3 =	sld [smem:$0x3FFD];
	_ =	sdelay $0x3  }
0x96: {  	_ =	strace s3  }
0x97: {  	_ =	strace $0x8FFFFFFF  }
0x98: {  	s19 =	sld [smem:$0x3FDB];
	_ =	sdelay $0x1  }
0x99: {  	s4 =	simm.s32 $_scs_section_size  }
0x9a: {  	s5 =	simm.s32 $_size__tile_overlayer_lowered;
	s6 =	simm.s32 $_tile_overlayer_lowered  }
0x9b: {  	s22 =	simm.s32 $0x1BFF;
	s21 =	sshll.u32 s6, $0x1;
	s3 =	sadd.s32 s4, s19  }
0x9c: {  	s7 =	simm.s32 $0x0;
	s20 =	sshll.u32 s5, $0x1;
	s5 =	sadd.s32 s21, s3  }
0x9d: {  	[timem:s7], [sflag:s22] =	dma.local [hbm:s5], s20  }
0x9e: {  	_ =	swait.ge [sflag:s22], s20  }
0x9f: {  	s4 =	ssub.s32 $0x0, s20;
	[sflag:s22] =	ssyncset.done $0x0  }
0xa0: {  	[sflag:s22] =	ssyncadd.s32 s4;
	_ =	sdelay $0x1  }
0xa1: {  	s23 =	simm.s32 $0x1B8B  }
0xa2: {  	_ =	swait.ge [sflag:s23], $0x1  }
0xa3: {  	[sflag:s23] =	ssyncset.done $0x0  }
0xa4: {  	s25 =	simm.s32 $0x1B8E;
	s24 =	sld [smem:$0x3FFE];
	[sflag:s23] =	ssyncadd.s32 $0xFFFFFFFF  }
0xa5: {  	s26 =	simm.s32 $execute0_lowered;
	[smem:$0x3FD2] =	sst s25  }
0xa6: {  	s5 =	sshll.u32 s26, $0x1;
	_ =	strace $0x80000049;
	[dreg:$0x1] =	wrdreg $0xFFFFFFFF  }
0xa7: {  	s28 =	simm.s32 $_size_execute0_lowered;
	s3 =	sadd.s32 s3, s5;
	[dreg:$0x0] =	wrdreg $0x0  }
0xa8: {  	s5 =	sshll.u32 s28, $0x1;
	[dreg:$0x2] =	wrdreg s3  }
0xa9: {  	[dreg:$0x3] =	wrdreg s5  }
0xaa: {  	[dreg:$0x4] =	wrdreg $0xC0  }
0xab: {  	_ =	task [dreg:s7], $0x5FFFF  }
0xac: {  	[dreg:$0x1] =	wrdreg $0xFFFFFFFF  }
0xad: {  	[dreg:$0x0] =	wrdreg $0x60  }
0xae: {  	[dreg:$0x2] =	wrdreg s2  }
0xaf: {  	[dreg:$0x3] =	wrdreg s24  }
0xb0: {  	[dreg:$0x4] =	wrdreg $0x51400  }
0xb1: {  	[dreg:$0x5] =	wrdreg $0x9  }
0xb2: {  	_ =	task.clear_ibuf [dreg:s7], $0x6FFFF;
	_ =	strace $0x90000049  }
0xb3: {  	s29 =	simm.s32 $0x9;
	_ =	strace $0x8000004B  }
0xb4: {  	_ =	swait.ge [sflag:s29], $0x1  }
0xb5: {  	[sflag:s29] =	ssyncadd.s32 $0xFFFFFFFF  }
0xb6: {  	_ =	strace $0x9000004B  }
0xb7: {  	_ =	sfence  }
0xb8: {  	s30 =	sld [smem:$0x0];
	_ =	sdelay $0x2  }
0xb9: {  	s31 =	sshll.u32 s1, $0xD;
	s1 =	sshrl.u32 s1, $0x2  }
0xba: {  	s3 =	sand.u32 $0x4000, s31;
	s1 =	sadd.s32 s1, s30  }
0xbb: {  	s0 =	sor.u32 s3, s0;
	s1 =	sshll.u32 s1, $0x11  }
0xbc: {  	s0 =	sor.u32 s1, s0  }
0xbd: {  	s0 =	sadd.s32 $0x8F2B, s0  }
0xbe: {  	[sflag:s0] =	ssyncadd.remote.s32 $0x1  }
0xbf: {  	_ =	sfence.sel $0xFFFF  }
0xc0: {  	[dreg:$0x0] =	wrdreg $0xFFFFFFFF;
	(pc) =	sbr.abs _section_cstart, $3  }
0xc1: {  	[dreg:$0x1] =	wrdreg $0xFFFFFFFF  }
0xc2: {  	_ =	task.clear_ibuf [dreg:s7], $0x2FFFF;
	_ =	strace $0x9FFFFFFF  }
0xc3: {  	(tm) =	ssettm $0x7FFFFFFF  }
tec
execute0_lowered:
.L_overlay_start_1:
0x0: {  	(tag) =	ssettag $0x1  }
0x1: {  	s1 =	rddreg [dreg:$0x0]  }
0x2: {  	s7 =	rddreg [dreg:$0x1]  }
0x3: {  	s3 =	rddreg [dreg:$0x2]  }
0x4: {  	s0 =	rddreg [dreg:$0x3]  }
0x5: {  	s5 =	srdreg.scid;
	s2 =	stileid.u32  }
0x6: {  	s4 =	simm.s32 $0x0;
	s15 =	simm.s32 $0x50;
	s16 =	simm.s32 $0x140  }
0x7: {  	s17 =	simm.s32 $0x1;
	s18 =	simm.s32 $0xA0;
	s19 =	simm.s32 $0x2940  }
0x8: {  	s20 =	simm.s32 $0x2;
	s21 =	simm.s32 $0x3;
	s22 =	simm.s32 $0xF0  }
0x9: {  	s24 =	simm.s32 $0x0;
	s8 =	sand.u32 $0x1, s5;
	s9 =	smul.u32 $0x14000, s2  }
0xa: {  	[smem:$0x7FF] =	sst s4;
	s5 =	sadd.s32 $0x1E00, s7;
	s14 =	smul.u32 $0x4E20, s2  }
0xb: {  	s6 =	sadd.s32 $0x15800, s7;
	s23 =	sshll.u32 s2, $0x6;
	s10 =	smul.u32 $0x140000, s8  }
0xc: {  	s11 =	ssub.s32 $0x2, s8;
	s12 =	smul.u32 $0x4E200, s8;
	s8 =	sshll.u32 s8, $0x4  }
0xd: {  	_ =	strace $0x8000004A;
	s13 =	sshrl.u32 s11, $0x1;
	s30 =	sor.u32 s2, s8  }
0xe: {  	s31 =	sadd.s32 s9, s3;
	s10 =	sadd.s32 s9, s10;
	s11 =	ssub.s32 s11, s13  }
0xf: {  	s8 =	smul.u32 $0x9C4, s30;
	s12 =	sadd.s32 s14, s12;
	s10 =	sshrl.u32 s10, $0x3  }
0x10: {  	s13 =	sshrl.u32 s31, $0x3;
	s14 =	sadd.s32 $0xA0, s12;
	s10 =	sadd.s32 s10, s7  }
0x11: {  	s7 =	sor.u32 $0x1C01, s23;
	s8 =	sadd.s32 s5, s8;
	s14 =	sshrl.u32 s14, $0x3  }
0x12: {  	s23 =	sor.u32 $0x1C04, s23;
	s9 =	sadd.s32 $0x18000, s10;
	s10 =	smax.u32 s11, $0x1  }
0x13: {  	s11 =	sadd.s32 $0x140, s12;
	s12 =	sadd.s32 s14, s5;
	s14 =	simm.s32 $0x4  }
.LBB2_1:
0x14: {  	[spmem:s13], [sflag:s7] =	dma.local [hbm:s6], $0x2800  }
0x15: {  	[tilespmem:s4], [sflag:$0x4] =	stream.linear.gather [hbm4b:s8+s4], $0xA0, $0x38;
	[tilespmem:$0x19140] =	vst v63  }
0x16: {  	_ =	swait.ge [sflag:s14], $0xA0  }
0x17: {  	[sflag:s14] =	ssyncset.done $0x0  }
0x18: {  	[sflag:s14] =	ssyncadd.s32 $0xFFFFFF60  }
0x19: {  	[tilespmem:s16], [sflag:$0x2] =	stream.indirect.gather [hbm4b:s1+s15], $0x80, s4, s15, $0xb8;
	[tilespmem:$0x19140] =	vst v63  }
0x1a: {  	_ =	swait.ge [sflag:s17], $0x2800  }
0x1b: {  	[sflag:s17] =	ssyncset.done $0x0  }
0x1c: {  	[sflag:s17] =	ssyncadd.s32 $0xFFFFD800  }
0x1d: {  	s25 =	sadd.s32 $0x0, s12;
	[bflag:$0x0] =	sbarrier.arrive $0xFFFF  }
0x1e: {  	[tilespmem:s18], [sflag:$0x4] =	stream.linear.gather [hbm4b:s25+s4], $0xA0, $0x38;
	[tilespmem:$0x19140] =	vst v63  }
0x1f: {  	_ =	swait.ge [sflag:s14], $0xA0  }
0x20: {  	[sflag:s14] =	ssyncset.done $0x0  }
0x21: {  	[sflag:s14] =	ssyncadd.s32 $0xFFFFFF60  }
0x22: {  	[tilespmem:s19], [sflag:$0x3] =	stream.indirect.gather [hbm4b:s1+s15], $0x80, s18, s15, $0xb8;
	[tilespmem:$0x19140] =	vst v63  }
0x23: {  	_ =	swait.ge [sflag:s20], $0x2800  }
0x24: {  	[sflag:s20] =	ssyncset.done $0x0  }
0x25: {  	[sflag:s20] =	ssyncadd.s32 $0xFFFFD800  }
0x26: {  	[spmem:s3] =	stream.indirect.scatter.add.f32 [tilespmem:s16], [sflag:$0x4], $0x80, s15, s15, $0xb8;
	[tilespmem:$0x19140] =	vst v63  }
0x27: {  	_ =	swait.ge [sflag:s14], $0x2800  }
0x28: {  	s31 =	sshrl.u32 s11, $0x3;
	[sflag:s14] =	ssyncset.done $0x0  }
0x29: {  	s25 =	sadd.s32 s5, s31;
	[sflag:s14] =	ssyncadd.s32 $0xFFFFD800  }
0x2a: {  	[tilespmem:s4], [sflag:$0x4] =	stream.linear.gather [hbm4b:s25+s4], $0xA0, $0x38;
	[tilespmem:$0x19140] =	vst v63  }
0x2b: {  	_ =	swait.ge [sflag:s14], $0xA0  }
0x2c: {  	[sflag:s14] =	ssyncset.done $0x0  }
0x2d: {  	[sflag:s14] =	ssyncadd.s32 $0xFFFFFF60  }
0x2e: {  	[tilespmem:s16], [sflag:$0x2] =	stream.indirect.gather [hbm4b:s1+s15], $0x80, s4, s15, $0xb8;
	[tilespmem:$0x19140] =	vst v63  }
0x2f: {  	_ =	swait.ge [sflag:s21], $0x2800  }
0x30: {  	[sflag:s21] =	ssyncset.done $0x0  }
0x31: {  	[sflag:s21] =	ssyncadd.s32 $0xFFFFD800  }
0x32: {  	[spmem:s3] =	stream.indirect.scatter.add.f32 [tilespmem:s19], [sflag:$0x4], $0x80, s22, s15, $0xb8;
	[tilespmem:$0x19140] =	vst v63  }
0x33: {  	s26 =	simm.s32 $0x28;
	_ =	swait.ge [sflag:s14], $0x2800  }
0x34: {  	s28 =	simm.s32 $0x50;
	s25 =	sadd.s32 $0x140, s11;
	[sflag:s14] =	ssyncset.done $0x0  }
.LBB2_2:
0x35: {  	s29 =	sadd.s32 s26, s12  }
0x36: {  	[sflag:s14] =	ssyncadd.s32 $0xFFFFD800;
	s26 =	smov.u32 s28;
	s30 =	sadd.s32 $0x28, s28  }
0x37: {  	[tilespmem:s18], [sflag:$0x4] =	stream.linear.gather [hbm4b:s29+s4], $0xA0, $0x38;
	[tilespmem:$0x19140] =	vst v63  }
0x38: {  	p0 =	sne.s32 s28, $0x988;
	_ =	swait.ge [sflag:s14], $0xA0  }
0x39: {  	[sflag:s14] =	ssyncset.done $0x0  }
0x3a: {  	[sflag:s14] =	ssyncadd.s32 $0xFFFFFF60  }
0x3b: {  	[tilespmem:s19], [sflag:$0x3] =	stream.indirect.gather [hbm4b:s1+s15], $0x80, s18, s15, $0xb8;
	[tilespmem:$0x19140] =	vst v63  }
0x3c: {  	_ =	swait.ge [sflag:s20], $0x2800  }
0x3d: {  	[sflag:s20] =	ssyncset.done $0x0  }
0x3e: {  	[sflag:s20] =	ssyncadd.s32 $0xFFFFD800  }
0x3f: {  	[spmem:s3] =	stream.indirect.scatter.add.f32 [tilespmem:s16], [sflag:$0x4], $0x80, s15, s15, $0xb8;
	[tilespmem:$0x19140] =	vst v63  }
0x40: {  	_ =	swait.ge [sflag:s14], $0x2800  }
0x41: {  	s28 =	sshrl.u32 s25, $0x3;
	[sflag:s14] =	ssyncset.done $0x0  }
0x42: {  	s28 =	sadd.s32 s5, s28;
	[sflag:s14] =	ssyncadd.s32 $0xFFFFD800  }
0x43: {  	[tilespmem:s4], [sflag:$0x4] =	stream.linear.gather [hbm4b:s28+s4], $0xA0, $0x38;
	[tilespmem:$0x19140] =	vst v63  }
0x44: {  	_ =	swait.ge [sflag:s14], $0xA0  }
0x45: {  	[sflag:s14] =	ssyncset.done $0x0  }
0x46: {  	[sflag:s14] =	ssyncadd.s32 $0xFFFFFF60  }
0x47: {  	[tilespmem:s16], [sflag:$0x2] =	stream.indirect.gather [hbm4b:s1+s15], $0x80, s4, s15, $0xb8;
	[tilespmem:$0x19140] =	vst v63  }
0x48: {  	_ =	swait.ge [sflag:s21], $0x2800  }
.Ltmp0:
0x49: {  	[sflag:s21] =	ssyncset.done $0x0;
	(pc) =	sbr.rel @p0 .LBB2_2-.Ltmp0, $4  }
0x4a: {  	[sflag:s21] =	ssyncadd.s32 $0xFFFFD800  }
0x4b: {  	[spmem:s3] =	stream.indirect.scatter.add.f32 [tilespmem:s19], [sflag:$0x4], $0x80, s22, s15, $0xb8;
	[tilespmem:$0x19140] =	vst v63  }
0x4c: {  	_ =	swait.ge [sflag:s14], $0x2800  }
0x4d: {  	s25 =	sadd.s32 $0x140, s25;
	s28 =	smov.u32 s30;
	[sflag:s14] =	ssyncset.done $0x0  }
0x4e: {  	s26 =	sadd.s32 s26, s12;
	[sflag:s14] =	ssyncadd.s32 $0xFFFFD800  }
0x4f: {  	[tilespmem:s18], [sflag:$0x4] =	stream.linear.gather [hbm4b:s26+s4], $0xA0, $0x38;
	[tilespmem:$0x19140] =	vst v63  }
0x50: {  	_ =	swait.ge [sflag:s14], $0xA0  }
0x51: {  	[sflag:s14] =	ssyncset.done $0x0  }
0x52: {  	[sflag:s14] =	ssyncadd.s32 $0xFFFFFF60  }
0x53: {  	[tilespmem:s19], [sflag:$0x3] =	stream.indirect.gather [hbm4b:s1+s15], $0x80, s18, s15, $0xb8;
	[tilespmem:$0x19140] =	vst v63  }
0x54: {  	_ =	swait.ge [sflag:s20], $0x2800  }
0x55: {  	[sflag:s20] =	ssyncset.done $0x0  }
0x56: {  	[sflag:s20] =	ssyncadd.s32 $0xFFFFD800  }
0x57: {  	[spmem:s3] =	stream.indirect.scatter.add.f32 [tilespmem:s16], [sflag:$0x4], $0x80, s15, s15, $0xb8;
	[tilespmem:$0x19140] =	vst v63  }
0x58: {  	_ =	swait.ge [sflag:s14], $0x2800  }
0x59: {  	s25 =	sshrl.u32 s25, $0x3;
	[sflag:s14] =	ssyncset.done $0x0  }
0x5a: {  	s25 =	sadd.s32 s5, s25;
	[sflag:s14] =	ssyncadd.s32 $0xFFFFD800  }
0x5b: {  	[tilespmem:s4], [sflag:$0x4] =	stream.linear.gather [hbm4b:s25+s4], $0xA0, $0x38;
	[tilespmem:$0x19140] =	vst v63  }
0x5c: {  	_ =	swait.ge [sflag:s14], $0xA0  }
0x5d: {  	[sflag:s14] =	ssyncset.done $0x0  }
0x5e: {  	[sflag:s14] =	ssyncadd.s32 $0xFFFFFF60  }
0x5f: {  	[tilespmem:s16], [sflag:$0x2] =	stream.indirect.gather [hbm4b:s1+s15], $0x80, s4, s15, $0xb8;
	[tilespmem:$0x19140] =	vst v63  }
0x60: {  	_ =	swait.ge [sflag:s21], $0x2800  }
0x61: {  	[sflag:s21] =	ssyncset.done $0x0  }
0x62: {  	[sflag:s21] =	ssyncadd.s32 $0xFFFFD800  }
0x63: {  	[spmem:s3] =	stream.indirect.scatter.add.f32 [tilespmem:s19], [sflag:$0x4], $0x80, s22, s15, $0xb8;
	[tilespmem:$0x19140] =	vst v63  }
0x64: {  	_ =	swait.ge [sflag:s14], $0x2800  }
0x65: {  	[sflag:s14] =	ssyncset.done $0x0  }
0x66: {  	[sflag:s14] =	ssyncadd.s32 $0xFFFFD800  }
0x67: {  	_ =	swait.ge [sflag:s20], $0x2800  }
0x68: {  	[sflag:s20] =	ssyncset.done $0x0  }
0x69: {  	[sflag:s20] =	ssyncadd.s32 $0xFFFFD800  }
0x6a: {  	[spmem:s3] =	stream.indirect.scatter.add.f32 [tilespmem:s16], [sflag:$0x4], $0x80, s15, s15, $0xb8;
	[tilespmem:$0x19140] =	vst v63  }
0x6b: {  	_ =	swait.ge [sflag:s14], $0x2800  }
0x6c: {  	s24 =	sadd.s32 $0x1, s24;
	[sflag:s14] =	ssyncset.done $0x0  }
0x6d: {  	p0 =	sne.s32 s24, s10;
	[sflag:s14] =	ssyncadd.s32 $0xFFFFD800  }
.Ltmp1:
0x6e: {  	[bflag:$0x0] =	sbarrier.arrive $0xFFFF;
	(pc) =	sbr.rel @p0 .LBB2_1-.Ltmp1, $4  }
0x6f: {  	[hbm:s9], [sflag:s23] =	dma.local [spmem:s13], $0x2800  }
0x70: {  	_ =	swait.ge [sflag:s14], $0x2800  }
0x71: {  	[sflag:s14] =	ssyncset.done $0x0  }
0x72: {  	[sflag:s14] =	ssyncadd.s32 $0xFFFFD800  }
0x73: {  	_ =	sfence.sel $0x180000  }
0x74: {  	[bflag:$0x0] =	sbarrier.arrive $0xFFFF  }
0x75: {  	p0 =	sne.s32 s2, $0x0;
	_ =	strace $0x9000004A  }
0x76: {  	s0 =	sadd.s32 @!p0 $0x100000, s0;
	[bflag:$0x2] =	sbarrier.arrive $0xFFFF  }
0x77: {  	[sflag:s0] =	ssyncadd.tile.s32 @!p0 $0x1;
	_ =	shalt  }
.Lfunc_end2:
_tile_overlayer_lowered:
.L_overlay_start_2:
0x78: {  	(tag) =	ssettag $0x2  }
0x79: {  	s0 =	rddreg [dreg:$0x0];
	s2 =	stileid.u32  }
0x7a: {  	s1 =	rddreg [dreg:$0x1];
	p0 =	sne.s32 s2, $0x0  }
0x7b: {  	s3 =	rddreg [dreg:$0x2];
	[bflag:$0x3] =	sbarrier.arrive $0xFFFF;
	s2 =	simm.s32 @!p0 $0x1C04  }
0x7c: {  	[timem:s3], [sflag:s2] =	dma.local @!p0 [hbm:s0], s1  }
0x7d: {  	s0 =	simm.s32 @!p0 $0x4  }
0x7e: {  	_ =	swait.ge @!p0 [sflag:s0], s1  }
0x7f: {  	s1 =	ssub.s32 @!p0 $0x0, s1;
	[sflag:s0] =	ssyncset.done @!p0 $0x0  }
0x80: {  	[sflag:s0] =	ssyncadd.s32 @!p0 s1  }
0x81: {  	[bflag:$0x3] =	sbarrier.arrive $0xFFFF  }
0x82: {  	_ =	shalt  }

// kernel: kernel.7.cloned.1.call-start
scs
__scs_entry_jumppad:
0x0: {  	(pc) =	sbr.rel $0x88, $3  }
0x1: {  	(tag) =	ssettag $0x0;
	lr =	simm.s32 $0x1  }
0x2: {  	[smem:$0x3F9E] =	sst lr;
	_ =	strace $0xD0000000  }
0x3: {  	_ = 	snop  }
0x4: {  	_ = 	snop  }
0x5: {  	_ = 	snop  }
0x6: {  	_ = 	snop  }
0x7: {  	_ = 	snop  }
__scs_overlays_trampoline_lowered:
0x8: {  	[smem:$0x3FAD] =	sst s0  }
0x9: {  	[smem:$0x3FAE] =	sst s1  }
0xa: {  	[smem:$0x3FAF] =	sst s2  }
0xb: {  	[smem:$0x3FB0] =	sst s3  }
0xc: {  	[smem:$0x3FB1] =	sst s4  }
0xd: {  	[smem:$0x3FB2] =	sst s5  }
0xe: {  	[smem:$0x3FB3] =	sst s6  }
0xf: {  	[smem:$0x3FB4] =	sst s7  }
0x10: {  	[smem:$0x3FB5] =	sst s8  }
0x11: {  	[smem:$0x3FB6] =	sst s9;
	s0 =	simm.s32 @!p0 $0x0  }
0x12: {  	s1 =	sld [smem:$0x3F9C];
	s0 =	simm.s32 @p0 $0x1  }
0x13: {  	[smem:$0x3FB7] =	sst s0;
	s0 =	simm.s32 @!p1 $0x0  }
0x14: {  	s2 =	sld [smem:$0x3F9B];
	s0 =	simm.s32 @p1 $0x1  }
0x15: {  	[smem:$0x3FB8] =	sst s0;
	s0 =	simm.s32 @!p2 $0x0  }
0x16: {  	s3 =	sld [smem:$0x3FDB];
	s0 =	simm.s32 @p2 $0x1  }
0x17: {  	s4 =	simm.s32 $0x1BF5;
	[smem:$0x3FBA] =	sst s0  }
0x18: {  	s0 =	sld [smem:$0x3F9D];
	_ =	swait.ge [sflag:s4], $0x0  }
0x19: {  	s7 =	sld [smem:$0x3F9E]  }
0x1a: {  	s8 =	sadd.s32 $0xFFFFE003, lr  }
0x1b: {  	s9 =	sadd.s32 $0xFFFFFEF7, lr;
	s5 =	simm.s32 $0xFFFFFFFF;
	p2 =	slt.u32 s8, $0xFFFFF086  }
0x1c: {  	p1 =	slt.u32 s9, $0xF7A;
	s5 =	simm.s32 @!p2 $0x0  }
0x1d: {  	s5 =	simm.s32 @p1 $0x1;
	p0 =	seq.s32 s7, s2  }
0x1e: {  	s7 =	smul.u32 @!p0 $0xF7A, s2;
	p2 =	seq.s32 @!p0 s5, $0x0  }
0x1f: {  	s9 =	smul.u32 $0xF7A, s1;
	s8 =	simm.s32 @!p0 $0x1BF5;
	p2 =	por !p2, p0  }
0x20: {  	[sflag:s8] =	ssyncset.s32 @!p0 $0xFFFFF086;
	s6 =	sadd.s32 @!p0 s3, s7;
	s7 =	simm.s32 @!p0 $0x108  }
0x21: {  	s3 =	sadd.s32 s3, s9;
	s6 =	sadd.s32 @!p0 $0x88, s6;
	s7 =	simm.s32 @p2 $0x1082  }
0x22: {  	[simem:s7], [sflag:s8] =	dma.local @!p0 [hbm:s6], $0xF7A  }
0x23: {  	s9 =	sor.u32 $0xD0000000, s2;
	s6 =	simm.s32 $0x108;
	_ =	swait.ge @!p0 [sflag:s8], $0x0  }
0x24: {  	s3 =	sadd.s32 $0x88, s3;
	s6 =	simm.s32 @!p1 $0x1082;
	[sflag:s4] =	ssyncset.s32 $0xFFFFF086  }
0x25: {  	[simem:s6], [sflag:s4] =	dma.local [hbm:s3], $0xF7A  }
0x26: {  	[smem:$0x3F9E] =	sst s1;
	(tag) =	ssettag s2;
	_ =	strace s9  }
0x27: {  	s1 =	sld [smem:$0x3FAE]  }
0x28: {  	s2 =	sld [smem:$0x3FAF]  }
0x29: {  	s4 =	sld [smem:$0x3FB1]  }
0x2a: {  	p0 =	seq.s32 s5, $0x0;
	s5 =	sld [smem:$0x3FB2]  }
0x2b: {  	s6 =	sld [smem:$0x3FB3]  }
0x2c: {  	s7 =	sld [smem:$0x3FB4]  }
0x2d: {  	s3 =	simm.s32 $0x108;
	s8 =	sld [smem:$0x3FB5]  }
0x2e: {  	s3 =	simm.s32 @!p0 $0x1082;
	s9 =	sld [smem:$0x3FB6]  }
0x2f: {  	lr =	sadd.s32 s0, s3;
	s0 =	sld [smem:$0x3FAD]  }
0x30: {  	s3 =	sld [smem:$0x3FB0]  }
0x31: {  	[smem:$0x3FB9] =	sst s10  }
0x32: {  	s10 =	sld [smem:$0x3FB7];
	_ =	sdelay $0x3  }
0x33: {  	p0 =	seq.s32 s10, $0x1;
	s10 =	sld [smem:$0x3FB9];
	_ =	sdelay $0x3  }
0x34: {  	[smem:$0x3FB9] =	sst s10  }
0x35: {  	s10 =	sld [smem:$0x3FB8];
	_ =	sdelay $0x3  }
0x36: {  	p1 =	seq.s32 s10, $0x1;
	s10 =	sld [smem:$0x3FB9];
	_ =	sdelay $0x3  }
0x37: {  	[smem:$0x3FB9] =	sst s10  }
0x38: {  	s10 =	sld [smem:$0x3FBA]  }
0x39: {  	_ = 	snop;
	(pc) =	sbr.ind lr, $3  }
0x3a: {  	_ = 	snop  }
0x3b: {  	_ = 	snop  }
0x3c: {  	p2 =	seq.s32 s10, $0x1;
	s10 =	sld [smem:$0x3FB9]  }
0x3d: {  	_ =	shalt  }
0x3e: {  	_ =	shalt  }
0x3f: {  	_ =	shalt  }
0x40: {  	_ =	shalt  }
0x41: {  	_ =	shalt  }
0x42: {  	_ =	shalt  }
0x43: {  	_ =	shalt  }
0x44: {  	_ =	shalt  }
0x45: {  	_ =	shalt  }
0x46: {  	_ =	shalt  }
0x47: {  	_ =	shalt  }
0x48: {  	_ =	shalt  }
0x49: {  	_ =	shalt  }
0x4a: {  	_ =	shalt  }
0x4b: {  	_ =	shalt  }
0x4c: {  	_ =	shalt  }
0x4d: {  	_ =	shalt  }
0x4e: {  	_ =	shalt  }
0x4f: {  	_ =	shalt  }
0x50: {  	_ =	shalt  }
0x51: {  	_ =	shalt  }
0x52: {  	_ =	shalt  }
0x53: {  	_ =	shalt  }
0x54: {  	_ =	shalt  }
0x55: {  	_ =	shalt  }
0x56: {  	_ =	shalt  }
0x57: {  	_ =	shalt  }
0x58: {  	_ =	shalt  }
0x59: {  	_ =	shalt  }
0x5a: {  	_ =	shalt  }
0x5b: {  	_ =	shalt  }
0x5c: {  	_ =	shalt  }
0x5d: {  	_ =	shalt  }
0x5e: {  	_ =	shalt  }
0x5f: {  	_ =	shalt  }
0x60: {  	_ =	shalt  }
0x61: {  	_ =	shalt  }
0x62: {  	_ =	shalt  }
0x63: {  	_ =	shalt  }
0x64: {  	_ =	shalt  }
0x65: {  	_ =	shalt  }
0x66: {  	_ =	shalt  }
0x67: {  	_ =	shalt  }
0x68: {  	_ =	shalt  }
0x69: {  	_ =	shalt  }
0x6a: {  	_ =	shalt  }
0x6b: {  	_ =	shalt  }
0x6c: {  	_ =	shalt  }
0x6d: {  	_ =	shalt  }
0x6e: {  	_ =	shalt  }
0x6f: {  	_ =	shalt  }
0x70: {  	_ =	shalt  }
0x71: {  	_ =	shalt  }
0x72: {  	_ =	shalt  }
0x73: {  	_ =	shalt  }
0x74: {  	_ =	shalt  }
0x75: {  	_ =	shalt  }
0x76: {  	_ =	shalt  }
0x77: {  	_ =	shalt  }
0x78: {  	_ =	shalt  }
0x79: {  	_ =	shalt  }
0x7a: {  	_ =	shalt  }
0x7b: {  	_ =	shalt  }
0x7c: {  	_ =	shalt  }
0x7d: {  	_ =	shalt  }
0x7e: {  	_ =	shalt  }
0x7f: {  	_ =	shalt  }
0x80: {  	_ =	shalt  }
0x81: {  	_ =	shalt  }
0x82: {  	_ =	shalt  }
0x83: {  	_ =	shalt  }
0x84: {  	_ =	shalt  }
0x85: {  	_ =	shalt  }
0x86: {  	_ =	shalt  }
0x87: {  	_ =	shalt  }
.Lfunc_end0:
.L_simem_size_0:
called_computation_lowered:
.L_overlay_start_0:
0x88: {  	s2 =	sld [smem:$0x3FD9]  }
0x89: {  	s3 =	sld [smem:$0x3FFE];
	_ =	sdelay $0x1  }
0x8a: {  	s1 =	srdreg.scid  }
0x8b: {  	s0 =	sand.u32 $0x1, s1  }
0x8c: {  	s17 =	sshll.u32 s0, $0xA;
	s2 =	sadd.s32 s3, s2  }
0x8d: {  	s2 =	sadd.s32 s2, s17  }
0x8e: {  	[smem:$0x3FC5] =	sst s2  }
0x8f: {  	_ = 	snop  }
0x90: {  	s2 =	sld [smem:$0x3FD0];
	(tm) =	ssettm $0x1  }
0x91: {  	s18 =	sld [smem:$0x3FFB];
	_ =	sdelay $0x3  }
0x92: {  	_ =	strace s18  }
0x93: {  	s3 =	sld [smem:$0x3FFC];
	_ =	sdelay $0x3  }
0x94: {  	_ =	strace s3  }
0x95: {  	s3 =	sld [smem:$0x3FFD];
	_ =	sdelay $0x3  }
0x96: {  	_ =	strace s3  }
0x97: {  	_ =	strace $0x8FFFFFFF  }
0x98: {  	s19 =	sld [smem:$0x3FDB];
	_ =	sdelay $0x1  }
0x99: {  	s4 =	simm.s32 $_scs_section_size  }
0x9a: {  	s5 =	simm.s32 $_size__tile_overlayer_lowered;
	s6 =	simm.s32 $_tile_overlayer_lowered  }
0x9b: {  	s22 =	simm.s32 $0x1BFF;
	s21 =	sshll.u32 s6, $0x1;
	s3 =	sadd.s32 s4, s19  }
0x9c: {  	s7 =	simm.s32 $0x0;
	s20 =	sshll.u32 s5, $0x1;
	s5 =	sadd.s32 s21, s3  }
0x9d: {  	[timem:s7], [sflag:s22] =	dma.local [hbm:s5], s20  }
0x9e: {  	_ =	swait.ge [sflag:s22], s20  }
0x9f: {  	s4 =	ssub.s32 $0x0, s20;
	[sflag:s22] =	ssyncset.done $0x0  }
0xa0: {  	[sflag:s22] =	ssyncadd.s32 s4;
	_ =	sdelay $0x1  }
0xa1: {  	s23 =	simm.s32 $0x1B8B  }
0xa2: {  	_ =	swait.ge [sflag:s23], $0x1  }
0xa3: {  	[sflag:s23] =	ssyncset.done $0x0  }
0xa4: {  	s25 =	simm.s32 $0x1B8E;
	s24 =	sld [smem:$0x3FFE];
	[sflag:s23] =	ssyncadd.s32 $0xFFFFFFFF  }
0xa5: {  	s26 =	simm.s32 $execute0_lowered;
	[smem:$0x3FD2] =	sst s25  }
0xa6: {  	s5 =	sshll.u32 s26, $0x1;
	_ =	strace $0x80000046;
	[dreg:$0x1] =	wrdreg $0xFFFFFFFF  }
0xa7: {  	s28 =	simm.s32 $_size_execute0_lowered;
	s3 =	sadd.s32 s3, s5;
	[dreg:$0x0] =	wrdreg $0x0  }
0xa8: {  	s5 =	sshll.u32 s28, $0x1;
	[dreg:$0x2] =	wrdreg s3  }
0xa9: {  	[dreg:$0x3] =	wrdreg s5  }
0xaa: {  	[dreg:$0x4] =	wrdreg $0xC0  }
0xab: {  	_ =	task [dreg:s7], $0x5FFFF  }
0xac: {  	[dreg:$0x1] =	wrdreg $0xFFFFFFFF  }
0xad: {  	[dreg:$0x0] =	wrdreg $0x60  }
0xae: {  	[dreg:$0x2] =	wrdreg s24  }
0xaf: {  	[dreg:$0x3] =	wrdreg s2  }
0xb0: {  	[dreg:$0x4] =	wrdreg $0x5B400  }
0xb1: {  	[dreg:$0x5] =	wrdreg $0x9  }
0xb2: {  	_ =	task.clear_ibuf [dreg:s7], $0x6FFFF;
	_ =	strace $0x90000046  }
0xb3: {  	s29 =	simm.s32 $0x9;
	_ =	strace $0x80000048  }
0xb4: {  	_ =	swait.ge [sflag:s29], $0x1  }
0xb5: {  	[sflag:s29] =	ssyncadd.s32 $0xFFFFFFFF  }
0xb6: {  	_ =	strace $0x90000048  }
0xb7: {  	_ =	sfence  }
0xb8: {  	s30 =	sld [smem:$0x0];
	_ =	sdelay $0x2  }
0xb9: {  	s31 =	sshll.u32 s1, $0xD;
	s1 =	sshrl.u32 s1, $0x2  }
0xba: {  	s3 =	sand.u32 $0x4000, s31;
	s1 =	sadd.s32 s1, s30  }
0xbb: {  	s0 =	sor.u32 s3, s0;
	s1 =	sshll.u32 s1, $0x11  }
0xbc: {  	s0 =	sor.u32 s1, s0  }
0xbd: {  	s0 =	sadd.s32 $0x8F2B, s0  }
0xbe: {  	[sflag:s0] =	ssyncadd.remote.s32 $0x1  }
0xbf: {  	_ =	sfence.sel $0xFFFF  }
0xc0: {  	[dreg:$0x0] =	wrdreg $0xFFFFFFFF;
	(pc) =	sbr.abs _section_cstart, $3  }
0xc1: {  	[dreg:$0x1] =	wrdreg $0xFFFFFFFF  }
0xc2: {  	_ =	task.clear_ibuf [dreg:s7], $0x2FFFF;
	_ =	strace $0x9FFFFFFF  }
0xc3: {  	(tm) =	ssettm $0x7FFFFFFF  }
tec
execute0_lowered:
.L_overlay_start_1:
0x0: {  	(tag) =	ssettag $0x1  }
0x1: {  	s0 =	rddreg [dreg:$0x0]  }
0x2: {  	s10 =	rddreg [dreg:$0x1]  }
0x3: {  	s1 =	rddreg [dreg:$0x2];
	s18 =	stileid.u32  }
0x4: {  	s2 =	srdreg.scid;
	s3 =	simm.s32 $0x0;
	s9 =	smul.u32 $0x14000, s18  }
0x5: {  	s17 =	simm.s32 $0x140;
	s28 =	simm.s32 $0x12;
	s11 =	smul.u32 $0x5A000, s18  }
0x6: {  	s29 =	simm.s32 $0x0;
	s7 =	sand.u32 $0x1, s2;
	s14 =	smul.u32 $0x2800, s18  }
0x7: {  	[smem:$0x7FF] =	sst s3;
	s5 =	sadd.s32 $0x1E00, s0;
	s22 =	smul.u32 $0x4E20, s18  }
0x8: {  	s24 =	sshll.u32 s18, $0x6;
	s8 =	smul.u32 $0x140000, s7;
	s4 =	sshll.u32 s7, $0x4  }
0x9: {  	_ =	strace $0x80000047;
	s19 =	smul.u32 $0x28000, s7;
	s13 =	ssub.s32 $0x2, s7  }
0xa: {  	s15 =	smul.u32 $0x4E200, s7;
	s7 =	sor.u32 $0x1C01, s24;
	s24 =	sor.u32 $0x1C04, s24  }
0xb: {  	s6 =	sor.u32 s18, s4;
	s4 =	sadd.s32 $0x15800, s0;
	s20 =	sshrl.u32 s13, $0x1  }
0xc: {  	s21 =	sshrl.u32 s11, $0x2;
	s18 =	simm.s32 $0x1;
	s12 =	smul.u32 $0x9C4, s6  }
0xd: {  	s6 =	sadd.s32 $0x41800, s0;
	s8 =	sadd.s32 s9, s8;
	s13 =	ssub.s32 s13, s20  }
0xe: {  	s16 =	sadd.s32 s21, s1;
	s23 =	sadd.s32 s14, s19;
	s25 =	sadd.s32 s22, s15  }
0xf: {  	s15 =	simm.s32 $0x4;
	s19 =	simm.s32 $0xA0;
	s20 =	simm.s32 $0x2E40  }
0x10: {  	s21 =	simm.s32 $0x2;
	s22 =	simm.s32 $0x3;
	s8 =	sshrl.u32 s8, $0x3  }
0x11: {  	s26 =	sshrl.u32 s23, $0x3;
	s11 =	sadd.s32 $0xA0, s25;
	s30 =	sadd.s32 $0x80, s16  }
0x12: {  	s14 =	sshrl.u32 s16, $0x3;
	s16 =	simm.s32 $0x50;
	s23 =	simm.s32 $0xF0  }
0x13: {  	s0 =	sadd.s32 s8, s0;
	s8 =	sadd.s32 s5, s12;
	s10 =	sadd.s32 s10, s26  }
0x14: {  	s31 =	sshrl.u32 s11, $0x3;
	s11 =	smax.u32 s13, $0x1;
	s12 =	sadd.s32 $0x140, s25  }
0x15: {  	s25 =	sshrl.u32 s30, $0x3;
	s9 =	sadd.s32 $0x44600, s0;
	s13 =	sadd.s32 s31, s5  }
.LBB2_1:
0x16: {  	[spmem:s14], [sflag:s7] =	dma.local [hbm:s6], $0x2D00  }
0x17: {  	[tilespmem:s3], [sflag:$0x4] =	stream.linear.gather [hbm4b:s8+s3], $0xA0, $0x38;
	[tilespmem:$0x1C340] =	vst v63  }
0x18: {  	_ =	swait.ge [sflag:s15], $0xA0  }
0x19: {  	[sflag:s15] =	ssyncset.done $0x0  }
0x1a: {  	[sflag:s15] =	ssyncadd.s32 $0xFFFFFF60  }
0x1b: {  	[tilespmem:s17], [sflag:$0x2] =	stream.indirect.gather [hbm4b:s4+s16], $0x90, s3, s16, $0xb8;
	[tilespmem:$0x1C340] =	vst v63  }
0x1c: {  	_ =	swait.ge [sflag:s18], $0x2D00  }
0x1d: {  	[sflag:s18] =	ssyncset.done $0x0  }
0x1e: {  	[sflag:s18] =	ssyncadd.s32 $0xFFFFD300  }
0x1f: {  	s0 =	sadd.s32 $0x0, s13;
	[bflag:$0x0] =	sbarrier.arrive $0xFFFF  }
0x20: {  	[tilespmem:s19], [sflag:$0x4] =	stream.linear.gather [hbm4b:s0+s3], $0xA0, $0x38;
	[tilespmem:$0x1C340] =	vst v63  }
0x21: {  	_ =	swait.ge [sflag:s15], $0xA0  }
0x22: {  	[sflag:s15] =	ssyncset.done $0x0  }
0x23: {  	[sflag:s15] =	ssyncadd.s32 $0xFFFFFF60  }
0x24: {  	[tilespmem:s20], [sflag:$0x3] =	stream.indirect.gather [hbm4b:s4+s16], $0x90, s19, s16, $0xb8;
	[tilespmem:$0x1C340] =	vst v63  }
0x25: {  	_ =	swait.ge [sflag:s21], $0x2D00  }
0x26: {  	[sflag:s21] =	ssyncset.done $0x0  }
0x27: {  	[sflag:s21] =	ssyncadd.s32 $0xFFFFD300  }
0x28: {  	[spmem:s1] =	stream.indirect.scatter.add.f32 [tilespmem:s17], [sflag:$0x4], $0x90, s16, s16, $0xb8;
	[tilespmem:$0x1C340] =	vst v63  }
0x29: {  	_ =	swait.ge [sflag:s15], $0x2D00  }
0x2a: {  	s26 =	sshrl.u32 s12, $0x3;
	[sflag:s15] =	ssyncset.done $0x0  }
0x2b: {  	s0 =	sadd.s32 s5, s26;
	[sflag:s15] =	ssyncadd.s32 $0xFFFFD300  }
0x2c: {  	[tilespmem:s3], [sflag:$0x4] =	stream.linear.gather [hbm4b:s0+s3], $0xA0, $0x38;
	[tilespmem:$0x1C340] =	vst v63  }
0x2d: {  	_ =	swait.ge [sflag:s15], $0xA0  }
0x2e: {  	[sflag:s15] =	ssyncset.done $0x0  }
0x2f: {  	[sflag:s15] =	ssyncadd.s32 $0xFFFFFF60  }
0x30: {  	[tilespmem:s17], [sflag:$0x2] =	stream.indirect.gather [hbm4b:s4+s16], $0x90, s3, s16, $0xb8;
	[tilespmem:$0x1C340] =	vst v63  }
0x31: {  	_ =	swait.ge [sflag:s22], $0x2D00  }
0x32: {  	[sflag:s22] =	ssyncset.done $0x0  }
0x33: {  	[sflag:s22] =	ssyncadd.s32 $0xFFFFD300  }
0x34: {  	[spmem:s1] =	stream.indirect.scatter.add.f32 [tilespmem:s20], [sflag:$0x4], $0x90, s23, s16, $0xb8;
	[tilespmem:$0x1C340] =	vst v63  }
0x35: {  	s31 =	simm.s32 $0x28;
	_ =	swait.ge [sflag:s15], $0x2D00  }
0x36: {  	s30 =	sadd.s32 $0x140, s12;
	s0 =	simm.s32 $0x50;
	[sflag:s15] =	ssyncset.done $0x0  }
.LBB2_2:
0x37: {  	s2 =	sadd.s32 s31, s13  }
0x38: {  	[sflag:s15] =	ssyncadd.s32 $0xFFFFD300;
	s31 =	smov.u32 s0;
	s26 =	sadd.s32 $0x28, s0  }
0x39: {  	[tilespmem:s19], [sflag:$0x4] =	stream.linear.gather [hbm4b:s2+s3], $0xA0, $0x38;
	[tilespmem:$0x1C340] =	vst v63  }
0x3a: {  	p0 =	sne.s32 s0, $0x988;
	_ =	swait.ge [sflag:s15], $0xA0  }
0x3b: {  	[sflag:s15] =	ssyncset.done $0x0  }
0x3c: {  	[sflag:s15] =	ssyncadd.s32 $0xFFFFFF60  }
0x3d: {  	[tilespmem:s20], [sflag:$0x3] =	stream.indirect.gather [hbm4b:s4+s16], $0x90, s19, s16, $0xb8;
	[tilespmem:$0x1C340] =	vst v63  }
0x3e: {  	_ =	swait.ge [sflag:s21], $0x2D00  }
0x3f: {  	[sflag:s21] =	ssyncset.done $0x0  }
0x40: {  	[sflag:s21] =	ssyncadd.s32 $0xFFFFD300  }
0x41: {  	[spmem:s1] =	stream.indirect.scatter.add.f32 [tilespmem:s17], [sflag:$0x4], $0x90, s16, s16, $0xb8;
	[tilespmem:$0x1C340] =	vst v63  }
0x42: {  	_ =	swait.ge [sflag:s15], $0x2D00  }
0x43: {  	s0 =	sshrl.u32 s30, $0x3;
	[sflag:s15] =	ssyncset.done $0x0  }
0x44: {  	s0 =	sadd.s32 s5, s0;
	[sflag:s15] =	ssyncadd.s32 $0xFFFFD300  }
0x45: {  	[tilespmem:s3], [sflag:$0x4] =	stream.linear.gather [hbm4b:s0+s3], $0xA0, $0x38;
	[tilespmem:$0x1C340] =	vst v63  }
0x46: {  	_ =	swait.ge [sflag:s15], $0xA0  }
0x47: {  	[sflag:s15] =	ssyncset.done $0x0  }
0x48: {  	[sflag:s15] =	ssyncadd.s32 $0xFFFFFF60  }
0x49: {  	[tilespmem:s17], [sflag:$0x2] =	stream.indirect.gather [hbm4b:s4+s16], $0x90, s3, s16, $0xb8;
	[tilespmem:$0x1C340] =	vst v63  }
0x4a: {  	_ =	swait.ge [sflag:s22], $0x2D00  }
.Ltmp0:
0x4b: {  	[sflag:s22] =	ssyncset.done $0x0;
	(pc) =	sbr.rel @p0 .LBB2_2-.Ltmp0, $4  }
0x4c: {  	[sflag:s22] =	ssyncadd.s32 $0xFFFFD300  }
0x4d: {  	[spmem:s1] =	stream.indirect.scatter.add.f32 [tilespmem:s20], [sflag:$0x4], $0x90, s23, s16, $0xb8;
	[tilespmem:$0x1C340] =	vst v63  }
0x4e: {  	_ =	swait.ge [sflag:s15], $0x2D00  }
0x4f: {  	s30 =	sadd.s32 $0x140, s30;
	s0 =	smov.u32 s26;
	[sflag:s15] =	ssyncset.done $0x0  }
0x50: {  	s0 =	sadd.s32 s31, s13;
	[sflag:s15] =	ssyncadd.s32 $0xFFFFD300  }
0x51: {  	[tilespmem:s19], [sflag:$0x4] =	stream.linear.gather [hbm4b:s0+s3], $0xA0, $0x38;
	[tilespmem:$0x1C340] =	vst v63  }
0x52: {  	_ =	swait.ge [sflag:s15], $0xA0  }
0x53: {  	[sflag:s15] =	ssyncset.done $0x0  }
0x54: {  	[sflag:s15] =	ssyncadd.s32 $0xFFFFFF60  }
0x55: {  	[tilespmem:s20], [sflag:$0x3] =	stream.indirect.gather [hbm4b:s4+s16], $0x90, s19, s16, $0xb8;
	[tilespmem:$0x1C340] =	vst v63  }
0x56: {  	_ =	swait.ge [sflag:s21], $0x2D00  }
0x57: {  	[sflag:s21] =	ssyncset.done $0x0  }
0x58: {  	[sflag:s21] =	ssyncadd.s32 $0xFFFFD300  }
0x59: {  	[spmem:s1] =	stream.indirect.scatter.add.f32 [tilespmem:s17], [sflag:$0x4], $0x90, s16, s16, $0xb8;
	[tilespmem:$0x1C340] =	vst v63  }
0x5a: {  	_ =	swait.ge [sflag:s15], $0x2D00  }
0x5b: {  	s30 =	sshrl.u32 s30, $0x3;
	[sflag:s15] =	ssyncset.done $0x0  }
0x5c: {  	s0 =	sadd.s32 s5, s30;
	[sflag:s15] =	ssyncadd.s32 $0xFFFFD300  }
0x5d: {  	[tilespmem:s3], [sflag:$0x4] =	stream.linear.gather [hbm4b:s0+s3], $0xA0, $0x38;
	[tilespmem:$0x1C340] =	vst v63  }
0x5e: {  	_ =	swait.ge [sflag:s15], $0xA0  }
0x5f: {  	[sflag:s15] =	ssyncset.done $0x0  }
0x60: {  	[sflag:s15] =	ssyncadd.s32 $0xFFFFFF60  }
0x61: {  	[tilespmem:s17], [sflag:$0x2] =	stream.indirect.gather [hbm4b:s4+s16], $0x90, s3, s16, $0xb8;
	[tilespmem:$0x1C340] =	vst v63  }
0x62: {  	_ =	swait.ge [sflag:s22], $0x2D00  }
0x63: {  	[sflag:s22] =	ssyncset.done $0x0  }
0x64: {  	[sflag:s22] =	ssyncadd.s32 $0xFFFFD300  }
0x65: {  	[spmem:s1] =	stream.indirect.scatter.add.f32 [tilespmem:s20], [sflag:$0x4], $0x90, s23, s16, $0xb8;
	[tilespmem:$0x1C340] =	vst v63  }
0x66: {  	_ =	swait.ge [sflag:s15], $0x2D00  }
0x67: {  	[sflag:s15] =	ssyncset.done $0x0  }
0x68: {  	[sflag:s15] =	ssyncadd.s32 $0xFFFFD300  }
0x69: {  	_ =	swait.ge [sflag:s21], $0x2D00  }
0x6a: {  	[sflag:s21] =	ssyncset.done $0x0  }
0x6b: {  	[sflag:s21] =	ssyncadd.s32 $0xFFFFD300  }
0x6c: {  	[spmem:s1] =	stream.indirect.scatter.add.f32 [tilespmem:s17], [sflag:$0x4], $0x90, s16, s16, $0xb8;
	[tilespmem:$0x1C340] =	vst v63  }
0x6d: {  	_ =	swait.ge [sflag:s15], $0x2D00  }
0x6e: {  	[sflag:s15] =	ssyncset.done $0x0  }
0x6f: {  	[sflag:s15] =	ssyncadd.s32 $0xFFFFD300  }
0x70: {  	s31 =	simm.s32 $0x10;
	[bflag:$0x0] =	sbarrier.arrive $0xFFFF  }
0x71: {  	[hbm:s9@s31], [sflag:s24] =	dma.strided [spmem:s14@s28], $0x2800, s18, $0x10   }
0x72: {  	s29 =	sadd.s32 $0x1, s29;
	_ =	swait.ge [sflag:s15], $0x2800  }
0x73: {  	p0 =	sne.s32 s29, s11;
	[sflag:s15] =	ssyncset.done $0x0  }
.Ltmp1:
0x74: {  	[sflag:s15] =	ssyncadd.s32 $0xFFFFD800;
	(pc) =	sbr.rel @p0 .LBB2_1-.Ltmp1, $4  }
0x75: {  	[hbm:s10@s21], [sflag:s24] =	dma.strided [spmem:s25@s28], $0x500, s18, $0x2   }
0x76: {  	_ =	swait.ge [sflag:s15], $0x500  }
0x77: {  	[sflag:s15] =	ssyncset.done $0x0  }
0x78: {  	[sflag:s15] =	ssyncadd.s32 $0xFFFFFB00  }
0x79: {  	_ =	sfence.sel $0x180000  }
0x7a: {  	[bflag:$0x0] =	sbarrier.arrive $0xFFFF  }
0x7b: {  	_ =	strace $0x90000047  }
0x7c: {  	s0 =	stileid.u32;
	[bflag:$0x2] =	sbarrier.arrive $0xFFFF  }
0x7d: {  	p0 =	sne.s32 s0, $0x0;
	s0 =	rddreg [dreg:$0x3]  }
0x7e: {  	s0 =	sadd.s32 @!p0 $0x100000, s0  }
0x7f: {  	[sflag:s0] =	ssyncadd.tile.s32 @!p0 $0x1;
	_ =	shalt  }
.Lfunc_end2:
_tile_overlayer_lowered:
.L_overlay_start_2:
0x80: {  	(tag) =	ssettag $0x2  }
0x81: {  	s0 =	rddreg [dreg:$0x0];
	s2 =	stileid.u32  }
0x82: {  	s1 =	rddreg [dreg:$0x1];
	p0 =	sne.s32 s2, $0x0  }
0x83: {  	s3 =	rddreg [dreg:$0x2];
	[bflag:$0x3] =	sbarrier.arrive $0xFFFF;
	s2 =	simm.s32 @!p0 $0x1C04  }
0x84: {  	[timem:s3], [sflag:s2] =	dma.local @!p0 [hbm:s0], s1  }
0x85: {  	s0 =	simm.s32 @!p0 $0x4  }
0x86: {  	_ =	swait.ge @!p0 [sflag:s0], s1  }
0x87: {  	s1 =	ssub.s32 @!p0 $0x0, s1;
	[sflag:s0] =	ssyncset.done @!p0 $0x0  }
0x88: {  	[sflag:s0] =	ssyncadd.s32 @!p0 s1  }
0x89: {  	[bflag:$0x3] =	sbarrier.arrive $0xFFFF  }
0x8a: {  	_ =	shalt  }

</sc_bundles>
